<compile_context>
chip_gen: v7x
topology: tpu7x:2x2x1
jax: 0.10.2.dev20260603
libtpu: 0.0.44.dev20260713+nightly
codegen_flags: <defaults>
</compile_context>

<pallas_src>
import jax
import jax.numpy as jnp
from jax import lax
from jax.experimental import pallas as pl
from jax.experimental.pallas import tpu as pltpu
from jax.experimental.pallas import tpu_sc as plsc

VOCAB = 128
N_WORDS = 8192
WORD_LEN = 32

NUM_CORES = 2
NUM_SUBCORES = 16
LANES = 16
NUM_WORKERS = NUM_CORES * NUM_SUBCORES

ROWS_PER_WORKER = N_WORDS // NUM_WORKERS
GROUPS_PER_WORKER = ROWS_PER_WORKER // LANES


def _fofe_body(xt_hbm, ff_hbm, out_hbm, x_v, out_v, ff_v, in_sem, out_sem):
    wid = lax.axis_index("s") * NUM_CORES + lax.axis_index("c")
    row0 = wid * ROWS_PER_WORKER

    in_cp = pltpu.async_copy(
        xt_hbm.at[:, pl.ds(row0, ROWS_PER_WORKER)], x_v, in_sem)
    pltpu.sync_copy(ff_hbm, ff_v.at[pl.ds(0, 1)])
    ffv = jnp.full((LANES,), ff_v[...][0])
    lane = lax.iota(jnp.int32, LANES)
    zeros = jnp.zeros((LANES,), jnp.float32)
    ones = jnp.ones((LANES,), jnp.float32)

    @plsc.parallel_loop(0, ROWS_PER_WORKER, 1, unroll=1)
    def zero_body(r):
        for t in range(VOCAB // LANES):
            out_v[r, pl.ds(t * LANES, LANES)] = zeros

    in_cp.wait()

    @plsc.parallel_loop(0, GROUPS_PER_WORKER, 1, unroll=1)
    def group_body(g):
        r0 = g * LANES
        rows = r0 + lane
        acc = ones
        for j in range(WORD_LEN):
            k = WORD_LEN - 1 - j
            c = x_v[k, pl.ds(r0, LANES)]
            m = c != 0
            plsc.addupdate_scatter(out_v, [rows, c], acc, mask=m)
            acc = jnp.where(m, acc * ffv, acc)

        pltpu.async_copy(
            out_v.at[pl.ds(r0, LANES), :],
            out_hbm.at[pl.ds(row0 + r0, LANES), :],
            out_sem)

    def drain_body(g, carry):
        r0 = g * LANES
        pltpu.make_async_copy(
            out_v.at[pl.ds(r0, LANES), :],
            out_hbm.at[pl.ds(row0 + r0, LANES), :],
            out_sem).wait()
        return carry

    lax.fori_loop(0, GROUPS_PER_WORKER, drain_body, 0)


@jax.jit
def kernel(x, forgetting_factor):
    xt = x.T
    ff_vec = forgetting_factor.astype(jnp.float32).reshape(1)

    mesh = plsc.VectorSubcoreMesh(
        core_axis_name="c", subcore_axis_name="s",
        num_cores=NUM_CORES, num_subcores=NUM_SUBCORES,
    )
    return pl.kernel(
        _fofe_body,
        out_type=jax.ShapeDtypeStruct((N_WORDS, VOCAB), jnp.float32),
        mesh=mesh,
        compiler_params=pltpu.CompilerParams(needs_layout_passes=False),
        scratch_types=[
            pltpu.VMEM((WORD_LEN, ROWS_PER_WORKER), jnp.int32),
            pltpu.VMEM((ROWS_PER_WORKER, VOCAB), jnp.float32),
            pltpu.VMEM((LANES,), jnp.float32),
            pltpu.SemaphoreType.DMA,
            pltpu.SemaphoreType.DMA,
        ],
    )(xt, ff_vec)

# --- scband reference (transcript-rebuilt; emitter-appended) ---
"""Pipeline reference for scband-fofe-encoding-41996190220715 (READ-ONLY COPY).

The authoritative reference and input builder live on the scoring server;
editing this copy changes nothing except your own understanding.
"""

import jax, jax.numpy as jnp
import numpy as np

VOCAB_SIZE = 128
N_WORDS = 8192
WORD_LEN = 32


def setup_inputs(seed: int = 0) -> dict:
    key = jax.random.key(seed)
    k1, k2 = jax.random.split(key)
    x = jax.random.randint(k1, (N_WORDS, WORD_LEN), 0, VOCAB_SIZE, dtype=jnp.int32)
    # learned scalar forgetting factor (torch init is 0.0; use 0.5 to keep power() well-conditioned)
    forgetting_factor = jnp.array(0.5, dtype=jnp.float32)
    return {"x": x, "forgetting_factor": forgetting_factor}


def reference(x, forgetting_factor):
    # Faithful vectorization of the torch loop:
    #   for each word, z = ff * z + one_hot(char) applied only at nonzero char positions.
    # A nonzero char at position k ends up scaled by ff ** (number of nonzero chars strictly after k).
    B, L = x.shape
    mask = (x != 0)
    cum = jnp.cumsum(mask.astype(jnp.int32), axis=1)  # inclusive count of nonzeros up to k
    total = cum[:, -1:]
    exponents = (total - cum).astype(jnp.float32)      # nonzeros strictly after position k
    coef = jnp.where(mask, jnp.power(forgetting_factor, exponents), 0.0)
    out = jnp.zeros((B, VOCAB_SIZE), dtype=jnp.float32)
    row_idx = jnp.arange(B)[:, None]
    out = out.at[row_idx, x].add(coef)  # scatter-add scaled one-hots
    return out

if __name__ == "__main__":
    import jax
    _d = setup_inputs()
    print(jax.jit(kernel)(*tuple(_d.values())))

</pallas_src>

<mosaic_0001>
#map = affine_map<(d0, d1) -> (0, 0)>
#map1 = affine_map<(d0, d1) -> (0)>
module attributes {stable_mosaic.version = 14 : i64} {
  func.func @_fofe_body(%arg0: i32, %arg1: i32, %arg2: memref<32x8192xi32, #tpu.memory_space<hbm>>, %arg3: memref<1xf32, #tpu.memory_space<hbm>>, %arg4: memref<8192x128xf32, #tpu.memory_space<hbm>>, %arg5: memref<32x256xi32, #tpu.memory_space<vmem>>, %arg6: memref<256x128xf32, #tpu.memory_space<vmem>>, %arg7: memref<16xf32, #tpu.memory_space<vmem>>, %arg8: memref<!tpu.dma_semaphore, #tpu.memory_space<semaphore_mem>>, %arg9: memref<!tpu.dma_semaphore, #tpu.memory_space<semaphore_mem>>) attributes {dimension_semantics = [#tpu.dimension_semantics<core_parallel>, #tpu.dimension_semantics<subcore_parallel>], iteration_bounds = array<i64: 2, 16>, scalar_prefetch = 0 : i64, scratch_operands = 5 : i64, tpu.core_type = #tpu.core_type<sc_vector_subcore>, window_params = [{transform_indices = #map}, {transform_indices = #map1}, {transform_indices = #map}]} {
    %mul3A = arith.constant 2 : i32
    %mul3A_0 = arith.muli %arg1, %mul3A : i32
    %add3A = arith.addi %mul3A_0, %arg0 : i32
    %mul3A_1 = arith.constant 256 : i32
    %mul3A_2 = arith.muli %add3A, %mul3A_1 : i32
    %dma_start3A = arith.constant 0 : i32
    %dma_start3A_3 = tpu.memref_slice %arg2[%dma_start3A, %mul3A_2] : memref<32x8192xi32, #tpu.memory_space<hbm>> -> memref<32x256xi32, #tpu.memory_space<hbm>>
    %dma_start3A_4 = arith.constant 0 : i32
    %dma_start3A_5 = tpu.memref_slice %arg2[%dma_start3A_4, %mul3A_2] : memref<32x8192xi32, #tpu.memory_space<hbm>> -> memref<32x256xi32, #tpu.memory_space<hbm>>
    tpu.enqueue_dma source(%dma_start3A_5 : memref<32x256xi32, #tpu.memory_space<hbm>>) target(%arg5 : memref<32x256xi32, #tpu.memory_space<vmem>>) target_semaphore(%arg8 : memref<!tpu.dma_semaphore, #tpu.memory_space<semaphore_mem>>)
    "tpu.region"() ({
      %run_scoped3A = tpu.sem_alloc : memref<!tpu.dma_semaphore, #tpu.memory_space<semaphore_mem>>
      %dma_start3A_24 = arith.constant 0 : i32
      %dma_start3A_25 = tpu.memref_slice %arg7[%dma_start3A_24] : memref<16xf32, #tpu.memory_space<vmem>> -> memref<1xf32, #tpu.memory_space<vmem>>
      %dma_start3A_26 = arith.constant 0 : i32
      %dma_start3A_27 = tpu.memref_slice %arg7[%dma_start3A_26] : memref<16xf32, #tpu.memory_space<vmem>> -> memref<1xf32, #tpu.memory_space<vmem>>
      tpu.enqueue_dma source(%arg3 : memref<1xf32, #tpu.memory_space<hbm>>) target(%dma_start3A_27 : memref<1xf32, #tpu.memory_space<vmem>>) target_semaphore(%run_scoped3A : memref<!tpu.dma_semaphore, #tpu.memory_space<semaphore_mem>>)
      %dma_wait3A_28 = arith.constant 0 : i32
      %dma_wait3A_29 = tpu.memref_slice %arg7[%dma_wait3A_28] : memref<16xf32, #tpu.memory_space<vmem>> -> memref<1xf32, #tpu.memory_space<vmem>>
      %dma_wait3A_30 = arith.constant 0 : i32
      %dma_wait3A_31 = tpu.memref_slice %arg7[%dma_wait3A_30] : memref<16xf32, #tpu.memory_space<vmem>> -> memref<1xf32, #tpu.memory_space<vmem>>
      tpu.wait_dma2 semaphore(%run_scoped3A : memref<!tpu.dma_semaphore, #tpu.memory_space<semaphore_mem>>) src(%arg3 : memref<1xf32, #tpu.memory_space<hbm>>) dst(%dma_wait3A_31 : memref<1xf32, #tpu.memory_space<vmem>>)
      tpu.yield
    }) : () -> ()
    %get3A = arith.constant 0 : index
    %get3A_6 = tpu.vector_load %arg7[%get3A] {strides = array<i32>} : memref<16xf32, #tpu.memory_space<vmem>>, vector<16xf32>,
    %slice3A = vector.extract_strided_slice %get3A_6 {offsets = [0], sizes = [1], strides = [1]} : vector<16xf32> to vector<1xf32>
    %squeeze3A = vector.extract %slice3A[0] : f32 from vector<1xf32>
    %broadcast_in_dim3A = vector.broadcast %squeeze3A : f32 to vector<16xf32>
    %iota3A = tpu.iota {dimensions = array<i32: 0>} : vector<16xi32>
    %broadcast_in_dim3A_7 = arith.constant 0.000000e+00 : f32
    %broadcast_in_dim3A_8 = vector.broadcast %broadcast_in_dim3A_7 : f32 to vector<16xf32>
    %broadcast_in_dim3A_9 = arith.constant 1.000000e+00 : f32
    %broadcast_in_dim3A_10 = vector.broadcast %broadcast_in_dim3A_9 : f32 to vector<16xf32>
    %parallel_loop3A = arith.constant 0 : i32
    %parallel_loop3A_11 = arith.constant 256 : i32
    %parallel_loop3A_12 = arith.constant 1 : i32
    scf.for %parallel_loop3A_24 = %parallel_loop3A to %parallel_loop3A_11 step %parallel_loop3A_12  : i32 {
      %parallel_loop3A_25 = arith.index_cast %parallel_loop3A_24 : i32 to index
      %parallel_loop3A_26 = arith.constant 0 : index
      %parallel_loop3A_27 = tpu.vector_load %arg6[%parallel_loop3A_25, %parallel_loop3A_26] {strides = array<i32>} : memref<256x128xf32, #tpu.memory_space<vmem>>, vector<16xf32>,
      tpu.vector_store %arg6[%parallel_loop3A_25, %parallel_loop3A_26], %broadcast_in_dim3A_8 {strides = array<i32>} : memref<256x128xf32, #tpu.memory_space<vmem>>, vector<16xf32>,
      %parallel_loop3A_28 = arith.index_cast %parallel_loop3A_24 : i32 to index
      %parallel_loop3A_29 = arith.constant 16 : index
      %parallel_loop3A_30 = tpu.vector_load %arg6[%parallel_loop3A_28, %parallel_loop3A_29] {strides = array<i32>} : memref<256x128xf32, #tpu.memory_space<vmem>>, vector<16xf32>,
      tpu.vector_store %arg6[%parallel_loop3A_28, %parallel_loop3A_29], %broadcast_in_dim3A_8 {strides = array<i32>} : memref<256x128xf32, #tpu.memory_space<vmem>>, vector<16xf32>,
      %parallel_loop3A_31 = arith.index_cast %parallel_loop3A_24 : i32 to index
      %parallel_loop3A_32 = arith.constant 32 : index
      %parallel_loop3A_33 = tpu.vector_load %arg6[%parallel_loop3A_31, %parallel_loop3A_32] {strides = array<i32>} : memref<256x128xf32, #tpu.memory_space<vmem>>, vector<16xf32>,
      tpu.vector_store %arg6[%parallel_loop3A_31, %parallel_loop3A_32], %broadcast_in_dim3A_8 {strides = array<i32>} : memref<256x128xf32, #tpu.memory_space<vmem>>, vector<16xf32>,
      %parallel_loop3A_34 = arith.index_cast %parallel_loop3A_24 : i32 to index
      %parallel_loop3A_35 = arith.constant 48 : index
      %parallel_loop3A_36 = tpu.vector_load %arg6[%parallel_loop3A_34, %parallel_loop3A_35] {strides = array<i32>} : memref<256x128xf32, #tpu.memory_space<vmem>>, vector<16xf32>,
      tpu.vector_store %arg6[%parallel_loop3A_34, %parallel_loop3A_35], %broadcast_in_dim3A_8 {strides = array<i32>} : memref<256x128xf32, #tpu.memory_space<vmem>>, vector<16xf32>,
      %parallel_loop3A_37 = arith.index_cast %parallel_loop3A_24 : i32 to index
      %parallel_loop3A_38 = arith.constant 64 : index
      %parallel_loop3A_39 = tpu.vector_load %arg6[%parallel_loop3A_37, %parallel_loop3A_38] {strides = array<i32>} : memref<256x128xf32, #tpu.memory_space<vmem>>, vector<16xf32>,
      tpu.vector_store %arg6[%parallel_loop3A_37, %parallel_loop3A_38], %broadcast_in_dim3A_8 {strides = array<i32>} : memref<256x128xf32, #tpu.memory_space<vmem>>, vector<16xf32>,
      %parallel_loop3A_40 = arith.index_cast %parallel_loop3A_24 : i32 to index
      %parallel_loop3A_41 = arith.constant 80 : index
      %parallel_loop3A_42 = tpu.vector_load %arg6[%parallel_loop3A_40, %parallel_loop3A_41] {strides = array<i32>} : memref<256x128xf32, #tpu.memory_space<vmem>>, vector<16xf32>,
      tpu.vector_store %arg6[%parallel_loop3A_40, %parallel_loop3A_41], %broadcast_in_dim3A_8 {strides = array<i32>} : memref<256x128xf32, #tpu.memory_space<vmem>>, vector<16xf32>,
      %parallel_loop3A_43 = arith.index_cast %parallel_loop3A_24 : i32 to index
      %parallel_loop3A_44 = arith.constant 96 : index
      %parallel_loop3A_45 = tpu.vector_load %arg6[%parallel_loop3A_43, %parallel_loop3A_44] {strides = array<i32>} : memref<256x128xf32, #tpu.memory_space<vmem>>, vector<16xf32>,
      tpu.vector_store %arg6[%parallel_loop3A_43, %parallel_loop3A_44], %broadcast_in_dim3A_8 {strides = array<i32>} : memref<256x128xf32, #tpu.memory_space<vmem>>, vector<16xf32>,
      %parallel_loop3A_46 = arith.index_cast %parallel_loop3A_24 : i32 to index
      %parallel_loop3A_47 = arith.constant 112 : index
      %parallel_loop3A_48 = tpu.vector_load %arg6[%parallel_loop3A_46, %parallel_loop3A_47] {strides = array<i32>} : memref<256x128xf32, #tpu.memory_space<vmem>>, vector<16xf32>,
      tpu.vector_store %arg6[%parallel_loop3A_46, %parallel_loop3A_47], %broadcast_in_dim3A_8 {strides = array<i32>} : memref<256x128xf32, #tpu.memory_space<vmem>>, vector<16xf32>,
    } {sc.loop_unroll_factor = 1 : i64, sc.parallel_access}
    %dma_wait3A = arith.constant 0 : i32
    %dma_wait3A_13 = tpu.memref_slice %arg2[%dma_wait3A, %mul3A_2] : memref<32x8192xi32, #tpu.memory_space<hbm>> -> memref<32x256xi32, #tpu.memory_space<hbm>>
    %dma_wait3A_14 = arith.constant 0 : i32
    %dma_wait3A_15 = tpu.memref_slice %arg2[%dma_wait3A_14, %mul3A_2] : memref<32x8192xi32, #tpu.memory_space<hbm>> -> memref<32x256xi32, #tpu.memory_space<hbm>>
    tpu.wait_dma2 semaphore(%arg8 : memref<!tpu.dma_semaphore, #tpu.memory_space<semaphore_mem>>) src(%dma_wait3A_15 : memref<32x256xi32, #tpu.memory_space<hbm>>) dst(%arg5 : memref<32x256xi32, #tpu.memory_space<vmem>>)
    %parallel_loop3A_16 = arith.constant 0 : i32
    %parallel_loop3A_17 = arith.constant 16 : i32
    %parallel_loop3A_18 = arith.constant 1 : i32
    scf.for %parallel_loop3A_24 = %parallel_loop3A_16 to %parallel_loop3A_17 step %parallel_loop3A_18  : i32 {
      %parallel_loop3A_25 = arith.constant 16 : i32
      %parallel_loop3A_26 = arith.muli %parallel_loop3A_24, %parallel_loop3A_25 : i32
      %parallel_loop3A_27 = vector.broadcast %parallel_loop3A_26 : i32 to vector<16xi32>
      %parallel_loop3A_28 = arith.addi %parallel_loop3A_27, %iota3A : vector<16xi32>
      %parallel_loop3A_29 = arith.constant 31 : i32
      %parallel_loop3A_30 = arith.index_cast %parallel_loop3A_29 : i32 to index
      %parallel_loop3A_31 = arith.index_cast %parallel_loop3A_26 : i32 to index
      %parallel_loop3A_32 = tpu.vector_load %arg5[%parallel_loop3A_30, %parallel_loop3A_31] {strides = array<i32>} : memref<32x256xi32, #tpu.memory_space<vmem>>, vector<16xi32>,
      %parallel_loop3A_33 = arith.constant 0 : i32
      %parallel_loop3A_34 = vector.broadcast %parallel_loop3A_33 : i32 to vector<16xi32>
      %parallel_loop3A_35 = arith.cmpi ne, %parallel_loop3A_32, %parallel_loop3A_34 : vector<16xi32>
      tpu.vector_store_idx %arg6[%parallel_loop3A_28, %parallel_loop3A_32], %broadcast_in_dim3A_10 masked %parallel_loop3A_35 {add = true} : memref<256x128xf32, #tpu.memory_space<vmem>>[vector<16xi32>, vector<16xi32>], vector<16xf32>, vector<16xi1>
      %parallel_loop3A_36 = arith.mulf %broadcast_in_dim3A_10, %broadcast_in_dim3A : vector<16xf32>
      %parallel_loop3A_37 = arith.select %parallel_loop3A_35, %parallel_loop3A_36, %broadcast_in_dim3A_10 : vector<16xi1>, vector<16xf32>
      %parallel_loop3A_38 = arith.constant 30 : i32
      %parallel_loop3A_39 = arith.index_cast %parallel_loop3A_38 : i32 to index
      %parallel_loop3A_40 = arith.index_cast %parallel_loop3A_26 : i32 to index
      %parallel_loop3A_41 = tpu.vector_load %arg5[%parallel_loop3A_39, %parallel_loop3A_40] {strides = array<i32>} : memref<32x256xi32, #tpu.memory_space<vmem>>, vector<16xi32>,
      %parallel_loop3A_42 = arith.constant 0 : i32
      %parallel_loop3A_43 = vector.broadcast %parallel_loop3A_42 : i32 to vector<16xi32>
      %parallel_loop3A_44 = arith.cmpi ne, %parallel_loop3A_41, %parallel_loop3A_43 : vector<16xi32>
      tpu.vector_store_idx %arg6[%parallel_loop3A_28, %parallel_loop3A_41], %parallel_loop3A_37 masked %parallel_loop3A_44 {add = true} : memref<256x128xf32, #tpu.memory_space<vmem>>[vector<16xi32>, vector<16xi32>], vector<16xf32>, vector<16xi1>
      %parallel_loop3A_45 = arith.mulf %parallel_loop3A_37, %broadcast_in_dim3A : vector<16xf32>
      %parallel_loop3A_46 = arith.select %parallel_loop3A_44, %parallel_loop3A_45, %parallel_loop3A_37 : vector<16xi1>, vector<16xf32>
      %parallel_loop3A_47 = arith.constant 29 : i32
      %parallel_loop3A_48 = arith.index_cast %parallel_loop3A_47 : i32 to index
      %parallel_loop3A_49 = arith.index_cast %parallel_loop3A_26 : i32 to index
      %parallel_loop3A_50 = tpu.vector_load %arg5[%parallel_loop3A_48, %parallel_loop3A_49] {strides = array<i32>} : memref<32x256xi32, #tpu.memory_space<vmem>>, vector<16xi32>,
      %parallel_loop3A_51 = arith.constant 0 : i32
      %parallel_loop3A_52 = vector.broadcast %parallel_loop3A_51 : i32 to vector<16xi32>
      %parallel_loop3A_53 = arith.cmpi ne, %parallel_loop3A_50, %parallel_loop3A_52 : vector<16xi32>
      tpu.vector_store_idx %arg6[%parallel_loop3A_28, %parallel_loop3A_50], %parallel_loop3A_46 masked %parallel_loop3A_53 {add = true} : memref<256x128xf32, #tpu.memory_space<vmem>>[vector<16xi32>, vector<16xi32>], vector<16xf32>, vector<16xi1>
      %parallel_loop3A_54 = arith.mulf %parallel_loop3A_46, %broadcast_in_dim3A : vector<16xf32>
      %parallel_loop3A_55 = arith.select %parallel_loop3A_53, %parallel_loop3A_54, %parallel_loop3A_46 : vector<16xi1>, vector<16xf32>
      %parallel_loop3A_56 = arith.constant 28 : i32
      %parallel_loop3A_57 = arith.index_cast %parallel_loop3A_56 : i32 to index
      %parallel_loop3A_58 = arith.index_cast %parallel_loop3A_26 : i32 to index
      %parallel_loop3A_59 = tpu.vector_load %arg5[%parallel_loop3A_57, %parallel_loop3A_58] {strides = array<i32>} : memref<32x256xi32, #tpu.memory_space<vmem>>, vector<16xi32>,
      %parallel_loop3A_60 = arith.constant 0 : i32
      %parallel_loop3A_61 = vector.broadcast %parallel_loop3A_60 : i32 to vector<16xi32>
      %parallel_loop3A_62 = arith.cmpi ne, %parallel_loop3A_59, %parallel_loop3A_61 : vector<16xi32>
      tpu.vector_store_idx %arg6[%parallel_loop3A_28, %parallel_loop3A_59], %parallel_loop3A_55 masked %parallel_loop3A_62 {add = true} : memref<256x128xf32, #tpu.memory_space<vmem>>[vector<16xi32>, vector<16xi32>], vector<16xf32>, vector<16xi1>
      %parallel_loop3A_63 = arith.mulf %parallel_loop3A_55, %broadcast_in_dim3A : vector<16xf32>
      %parallel_loop3A_64 = arith.select %parallel_loop3A_62, %parallel_loop3A_63, %parallel_loop3A_55 : vector<16xi1>, vector<16xf32>
      %parallel_loop3A_65 = arith.constant 27 : i32
      %parallel_loop3A_66 = arith.index_cast %parallel_loop3A_65 : i32 to index
      %parallel_loop3A_67 = arith.index_cast %parallel_loop3A_26 : i32 to index
      %parallel_loop3A_68 = tpu.vector_load %arg5[%parallel_loop3A_66, %parallel_loop3A_67] {strides = array<i32>} : memref<32x256xi32, #tpu.memory_space<vmem>>, vector<16xi32>,
      %parallel_loop3A_69 = arith.constant 0 : i32
      %parallel_loop3A_70 = vector.broadcast %parallel_loop3A_69 : i32 to vector<16xi32>
      %parallel_loop3A_71 = arith.cmpi ne, %parallel_loop3A_68, %parallel_loop3A_70 : vector<16xi32>
      tpu.vector_store_idx %arg6[%parallel_loop3A_28, %parallel_loop3A_68], %parallel_loop3A_64 masked %parallel_loop3A_71 {add = true} : memref<256x128xf32, #tpu.memory_space<vmem>>[vector<16xi32>, vector<16xi32>], vector<16xf32>, vector<16xi1>
      %parallel_loop3A_72 = arith.mulf %parallel_loop3A_64, %broadcast_in_dim3A : vector<16xf32>
      %parallel_loop3A_73 = arith.select %parallel_loop3A_71, %parallel_loop3A_72, %parallel_loop3A_64 : vector<16xi1>, vector<16xf32>
      %parallel_loop3A_74 = arith.constant 26 : i32
      %parallel_loop3A_75 = arith.index_cast %parallel_loop3A_74 : i32 to index
      %parallel_loop3A_76 = arith.index_cast %parallel_loop3A_26 : i32 to index
      %parallel_loop3A_77 = tpu.vector_load %arg5[%parallel_loop3A_75, %parallel_loop3A_76] {strides = array<i32>} : memref<32x256xi32, #tpu.memory_space<vmem>>, vector<16xi32>,
      %parallel_loop3A_78 = arith.constant 0 : i32
      %parallel_loop3A_79 = vector.broadcast %parallel_loop3A_78 : i32 to vector<16xi32>
      %parallel_loop3A_80 = arith.cmpi ne, %parallel_loop3A_77, %parallel_loop3A_79 : vector<16xi32>
      tpu.vector_store_idx %arg6[%parallel_loop3A_28, %parallel_loop3A_77], %parallel_loop3A_73 masked %parallel_loop3A_80 {add = true} : memref<256x128xf32, #tpu.memory_space<vmem>>[vector<16xi32>, vector<16xi32>], vector<16xf32>, vector<16xi1>
      %parallel_loop3A_81 = arith.mulf %parallel_loop3A_73, %broadcast_in_dim3A : vector<16xf32>
      %parallel_loop3A_82 = arith.select %parallel_loop3A_80, %parallel_loop3A_81, %parallel_loop3A_73 : vector<16xi1>, vector<16xf32>
      %parallel_loop3A_83 = arith.constant 25 : i32
      %parallel_loop3A_84 = arith.index_cast %parallel_loop3A_83 : i32 to index
      %parallel_loop3A_85 = arith.index_cast %parallel_loop3A_26 : i32 to index
      %parallel_loop3A_86 = tpu.vector_load %arg5[%parallel_loop3A_84, %parallel_loop3A_85] {strides = array<i32>} : memref<32x256xi32, #tpu.memory_space<vmem>>, vector<16xi32>,
      %parallel_loop3A_87 = arith.constant 0 : i32
      %parallel_loop3A_88 = vector.broadcast %parallel_loop3A_87 : i32 to vector<16xi32>
      %parallel_loop3A_89 = arith.cmpi ne, %parallel_loop3A_86, %parallel_loop3A_88 : vector<16xi32>
      tpu.vector_store_idx %arg6[%parallel_loop3A_28, %parallel_loop3A_86], %parallel_loop3A_82 masked %parallel_loop3A_89 {add = true} : memref<256x128xf32, #tpu.memory_space<vmem>>[vector<16xi32>, vector<16xi32>], vector<16xf32>, vector<16xi1>
      %parallel_loop3A_90 = arith.mulf %parallel_loop3A_82, %broadcast_in_dim3A : vector<16xf32>
      %parallel_loop3A_91 = arith.select %parallel_loop3A_89, %parallel_loop3A_90, %parallel_loop3A_82 : vector<16xi1>, vector<16xf32>
      %parallel_loop3A_92 = arith.constant 24 : i32
      %parallel_loop3A_93 = arith.index_cast %parallel_loop3A_92 : i32 to index
      %parallel_loop3A_94 = arith.index_cast %parallel_loop3A_26 : i32 to index
      %parallel_loop3A_95 = tpu.vector_load %arg5[%parallel_loop3A_93, %parallel_loop3A_94] {strides = array<i32>} : memref<32x256xi32, #tpu.memory_space<vmem>>, vector<16xi32>,
      %parallel_loop3A_96 = arith.constant 0 : i32
      %parallel_loop3A_97 = vector.broadcast %parallel_loop3A_96 : i32 to vector<16xi32>
      %parallel_loop3A_98 = arith.cmpi ne, %parallel_loop3A_95, %parallel_loop3A_97 : vector<16xi32>
      tpu.vector_store_idx %arg6[%parallel_loop3A_28, %parallel_loop3A_95], %parallel_loop3A_91 masked %parallel_loop3A_98 {add = true} : memref<256x128xf32, #tpu.memory_space<vmem>>[vector<16xi32>, vector<16xi32>], vector<16xf32>, vector<16xi1>
      %parallel_loop3A_99 = arith.mulf %parallel_loop3A_91, %broadcast_in_dim3A : vector<16xf32>
      %parallel_loop3A_100 = arith.select %parallel_loop3A_98, %parallel_loop3A_99, %parallel_loop3A_91 : vector<16xi1>, vector<16xf32>
      %parallel_loop3A_101 = arith.constant 23 : i32
      %parallel_loop3A_102 = arith.index_cast %parallel_loop3A_101 : i32 to index
      %parallel_loop3A_103 = arith.index_cast %parallel_loop3A_26 : i32 to index
      %parallel_loop3A_104 = tpu.vector_load %arg5[%parallel_loop3A_102, %parallel_loop3A_103] {strides = array<i32>} : memref<32x256xi32, #tpu.memory_space<vmem>>, vector<16xi32>,
      %parallel_loop3A_105 = arith.constant 0 : i32
      %parallel_loop3A_106 = vector.broadcast %parallel_loop3A_105 : i32 to vector<16xi32>
      %parallel_loop3A_107 = arith.cmpi ne, %parallel_loop3A_104, %parallel_loop3A_106 : vector<16xi32>
      tpu.vector_store_idx %arg6[%parallel_loop3A_28, %parallel_loop3A_104], %parallel_loop3A_100 masked %parallel_loop3A_107 {add = true} : memref<256x128xf32, #tpu.memory_space<vmem>>[vector<16xi32>, vector<16xi32>], vector<16xf32>, vector<16xi1>
      %parallel_loop3A_108 = arith.mulf %parallel_loop3A_100, %broadcast_in_dim3A : vector<16xf32>
      %parallel_loop3A_109 = arith.select %parallel_loop3A_107, %parallel_loop3A_108, %parallel_loop3A_100 : vector<16xi1>, vector<16xf32>
      %parallel_loop3A_110 = arith.constant 22 : i32
      %parallel_loop3A_111 = arith.index_cast %parallel_loop3A_110 : i32 to index
      %parallel_loop3A_112 = arith.index_cast %parallel_loop3A_26 : i32 to index
      %parallel_loop3A_113 = tpu.vector_load %arg5[%parallel_loop3A_111, %parallel_loop3A_112] {strides = array<i32>} : memref<32x256xi32, #tpu.memory_space<vmem>>, vector<16xi32>,
      %parallel_loop3A_114 = arith.constant 0 : i32
      %parallel_loop3A_115 = vector.broadcast %parallel_loop3A_114 : i32 to vector<16xi32>
      %parallel_loop3A_116 = arith.cmpi ne, %parallel_loop3A_113, %parallel_loop3A_115 : vector<16xi32>
      tpu.vector_store_idx %arg6[%parallel_loop3A_28, %parallel_loop3A_113], %parallel_loop3A_109 masked %parallel_loop3A_116 {add = true} : memref<256x128xf32, #tpu.memory_space<vmem>>[vector<16xi32>, vector<16xi32>], vector<16xf32>, vector<16xi1>
      %parallel_loop3A_117 = arith.mulf %parallel_loop3A_109, %broadcast_in_dim3A : vector<16xf32>
      %parallel_loop3A_118 = arith.select %parallel_loop3A_116, %parallel_loop3A_117, %parallel_loop3A_109 : vector<16xi1>, vector<16xf32>
      %parallel_loop3A_119 = arith.constant 21 : i32
      %parallel_loop3A_120 = arith.index_cast %parallel_loop3A_119 : i32 to index
      %parallel_loop3A_121 = arith.index_cast %parallel_loop3A_26 : i32 to index
      %parallel_loop3A_122 = tpu.vector_load %arg5[%parallel_loop3A_120, %parallel_loop3A_121] {strides = array<i32>} : memref<32x256xi32, #tpu.memory_space<vmem>>, vector<16xi32>,
      %parallel_loop3A_123 = arith.constant 0 : i32
      %parallel_loop3A_124 = vector.broadcast %parallel_loop3A_123 : i32 to vector<16xi32>
      %parallel_loop3A_125 = arith.cmpi ne, %parallel_loop3A_122, %parallel_loop3A_124 : vector<16xi32>
      tpu.vector_store_idx %arg6[%parallel_loop3A_28, %parallel_loop3A_122], %parallel_loop3A_118 masked %parallel_loop3A_125 {add = true} : memref<256x128xf32, #tpu.memory_space<vmem>>[vector<16xi32>, vector<16xi32>], vector<16xf32>, vector<16xi1>
      %parallel_loop3A_126 = arith.mulf %parallel_loop3A_118, %broadcast_in_dim3A : vector<16xf32>
      %parallel_loop3A_127 = arith.select %parallel_loop3A_125, %parallel_loop3A_126, %parallel_loop3A_118 : vector<16xi1>, vector<16xf32>
      %parallel_loop3A_128 = arith.constant 20 : i32
      %parallel_loop3A_129 = arith.index_cast %parallel_loop3A_128 : i32 to index
      %parallel_loop3A_130 = arith.index_cast %parallel_loop3A_26 : i32 to index
      %parallel_loop3A_131 = tpu.vector_load %arg5[%parallel_loop3A_129, %parallel_loop3A_130] {strides = array<i32>} : memref<32x256xi32, #tpu.memory_space<vmem>>, vector<16xi32>,
      %parallel_loop3A_132 = arith.constant 0 : i32
      %parallel_loop3A_133 = vector.broadcast %parallel_loop3A_132 : i32 to vector<16xi32>
      %parallel_loop3A_134 = arith.cmpi ne, %parallel_loop3A_131, %parallel_loop3A_133 : vector<16xi32>
      tpu.vector_store_idx %arg6[%parallel_loop3A_28, %parallel_loop3A_131], %parallel_loop3A_127 masked %parallel_loop3A_134 {add = true} : memref<256x128xf32, #tpu.memory_space<vmem>>[vector<16xi32>, vector<16xi32>], vector<16xf32>, vector<16xi1>
      %parallel_loop3A_135 = arith.mulf %parallel_loop3A_127, %broadcast_in_dim3A : vector<16xf32>
      %parallel_loop3A_136 = arith.select %parallel_loop3A_134, %parallel_loop3A_135, %parallel_loop3A_127 : vector<16xi1>, vector<16xf32>
      %parallel_loop3A_137 = arith.constant 19 : i32
      %parallel_loop3A_138 = arith.index_cast %parallel_loop3A_137 : i32 to index
      %parallel_loop3A_139 = arith.index_cast %parallel_loop3A_26 : i32 to index
      %parallel_loop3A_140 = tpu.vector_load %arg5[%parallel_loop3A_138, %parallel_loop3A_139] {strides = array<i32>} : memref<32x256xi32, #tpu.memory_space<vmem>>, vector<16xi32>,
      %parallel_loop3A_141 = arith.constant 0 : i32
      %parallel_loop3A_142 = vector.broadcast %parallel_loop3A_141 : i32 to vector<16xi32>
      %parallel_loop3A_143 = arith.cmpi ne, %parallel_loop3A_140, %parallel_loop3A_142 : vector<16xi32>
      tpu.vector_store_idx %arg6[%parallel_loop3A_28, %parallel_loop3A_140], %parallel_loop3A_136 masked %parallel_loop3A_143 {add = true} : memref<256x128xf32, #tpu.memory_space<vmem>>[vector<16xi32>, vector<16xi32>], vector<16xf32>, vector<16xi1>
      %parallel_loop3A_144 = arith.mulf %parallel_loop3A_136, %broadcast_in_dim3A : vector<16xf32>
      %parallel_loop3A_145 = arith.select %parallel_loop3A_143, %parallel_loop3A_144, %parallel_loop3A_136 : vector<16xi1>, vector<16xf32>
      %parallel_loop3A_146 = arith.constant 18 : i32
      %parallel_loop3A_147 = arith.index_cast %parallel_loop3A_146 : i32 to index
      %parallel_loop3A_148 = arith.index_cast %parallel_loop3A_26 : i32 to index
      %parallel_loop3A_149 = tpu.vector_load %arg5[%parallel_loop3A_147, %parallel_loop3A_148] {strides = array<i32>} : memref<32x256xi32, #tpu.memory_space<vmem>>, vector<16xi32>,
      %parallel_loop3A_150 = arith.constant 0 : i32
      %parallel_loop3A_151 = vector.broadcast %parallel_loop3A_150 : i32 to vector<16xi32>
      %parallel_loop3A_152 = arith.cmpi ne, %parallel_loop3A_149, %parallel_loop3A_151 : vector<16xi32>
      tpu.vector_store_idx %arg6[%parallel_loop3A_28, %parallel_loop3A_149], %parallel_loop3A_145 masked %parallel_loop3A_152 {add = true} : memref<256x128xf32, #tpu.memory_space<vmem>>[vector<16xi32>, vector<16xi32>], vector<16xf32>, vector<16xi1>
      %parallel_loop3A_153 = arith.mulf %parallel_loop3A_145, %broadcast_in_dim3A : vector<16xf32>
      %parallel_loop3A_154 = arith.select %parallel_loop3A_152, %parallel_loop3A_153, %parallel_loop3A_145 : vector<16xi1>, vector<16xf32>
      %parallel_loop3A_155 = arith.constant 17 : i32
      %parallel_loop3A_156 = arith.index_cast %parallel_loop3A_155 : i32 to index
      %parallel_loop3A_157 = arith.index_cast %parallel_loop3A_26 : i32 to index
      %parallel_loop3A_158 = tpu.vector_load %arg5[%parallel_loop3A_156, %parallel_loop3A_157] {strides = array<i32>} : memref<32x256xi32, #tpu.memory_space<vmem>>, vector<16xi32>,
      %parallel_loop3A_159 = arith.constant 0 : i32
      %parallel_loop3A_160 = vector.broadcast %parallel_loop3A_159 : i32 to vector<16xi32>
      %parallel_loop3A_161 = arith.cmpi ne, %parallel_loop3A_158, %parallel_loop3A_160 : vector<16xi32>
      tpu.vector_store_idx %arg6[%parallel_loop3A_28, %parallel_loop3A_158], %parallel_loop3A_154 masked %parallel_loop3A_161 {add = true} : memref<256x128xf32, #tpu.memory_space<vmem>>[vector<16xi32>, vector<16xi32>], vector<16xf32>, vector<16xi1>
      %parallel_loop3A_162 = arith.mulf %parallel_loop3A_154, %broadcast_in_dim3A : vector<16xf32>
      %parallel_loop3A_163 = arith.select %parallel_loop3A_161, %parallel_loop3A_162, %parallel_loop3A_154 : vector<16xi1>, vector<16xf32>
      %parallel_loop3A_164 = arith.constant 16 : i32
      %parallel_loop3A_165 = arith.index_cast %parallel_loop3A_164 : i32 to index
      %parallel_loop3A_166 = arith.index_cast %parallel_loop3A_26 : i32 to index
      %parallel_loop3A_167 = tpu.vector_load %arg5[%parallel_loop3A_165, %parallel_loop3A_166] {strides = array<i32>} : memref<32x256xi32, #tpu.memory_space<vmem>>, vector<16xi32>,
      %parallel_loop3A_168 = arith.constant 0 : i32
      %parallel_loop3A_169 = vector.broadcast %parallel_loop3A_168 : i32 to vector<16xi32>
      %parallel_loop3A_170 = arith.cmpi ne, %parallel_loop3A_167, %parallel_loop3A_169 : vector<16xi32>
      tpu.vector_store_idx %arg6[%parallel_loop3A_28, %parallel_loop3A_167], %parallel_loop3A_163 masked %parallel_loop3A_170 {add = true} : memref<256x128xf32, #tpu.memory_space<vmem>>[vector<16xi32>, vector<16xi32>], vector<16xf32>, vector<16xi1>
      %parallel_loop3A_171 = arith.mulf %parallel_loop3A_163, %broadcast_in_dim3A : vector<16xf32>
      %parallel_loop3A_172 = arith.select %parallel_loop3A_170, %parallel_loop3A_171, %parallel_loop3A_163 : vector<16xi1>, vector<16xf32>
      %parallel_loop3A_173 = arith.constant 15 : i32
      %parallel_loop3A_174 = arith.index_cast %parallel_loop3A_173 : i32 to index
      %parallel_loop3A_175 = arith.index_cast %parallel_loop3A_26 : i32 to index
      %parallel_loop3A_176 = tpu.vector_load %arg5[%parallel_loop3A_174, %parallel_loop3A_175] {strides = array<i32>} : memref<32x256xi32, #tpu.memory_space<vmem>>, vector<16xi32>,
      %parallel_loop3A_177 = arith.constant 0 : i32
      %parallel_loop3A_178 = vector.broadcast %parallel_loop3A_177 : i32 to vector<16xi32>
      %parallel_loop3A_179 = arith.cmpi ne, %parallel_loop3A_176, %parallel_loop3A_178 : vector<16xi32>
      tpu.vector_store_idx %arg6[%parallel_loop3A_28, %parallel_loop3A_176], %parallel_loop3A_172 masked %parallel_loop3A_179 {add = true} : memref<256x128xf32, #tpu.memory_space<vmem>>[vector<16xi32>, vector<16xi32>], vector<16xf32>, vector<16xi1>
      %parallel_loop3A_180 = arith.mulf %parallel_loop3A_172, %broadcast_in_dim3A : vector<16xf32>
      %parallel_loop3A_181 = arith.select %parallel_loop3A_179, %parallel_loop3A_180, %parallel_loop3A_172 : vector<16xi1>, vector<16xf32>
      %parallel_loop3A_182 = arith.constant 14 : i32
      %parallel_loop3A_183 = arith.index_cast %parallel_loop3A_182 : i32 to index
      %parallel_loop3A_184 = arith.index_cast %parallel_loop3A_26 : i32 to index
      %parallel_loop3A_185 = tpu.vector_load %arg5[%parallel_loop3A_183, %parallel_loop3A_184] {strides = array<i32>} : memref<32x256xi32, #tpu.memory_space<vmem>>, vector<16xi32>,
      %parallel_loop3A_186 = arith.constant 0 : i32
      %parallel_loop3A_187 = vector.broadcast %parallel_loop3A_186 : i32 to vector<16xi32>
      %parallel_loop3A_188 = arith.cmpi ne, %parallel_loop3A_185, %parallel_loop3A_187 : vector<16xi32>
      tpu.vector_store_idx %arg6[%parallel_loop3A_28, %parallel_loop3A_185], %parallel_loop3A_181 masked %parallel_loop3A_188 {add = true} : memref<256x128xf32, #tpu.memory_space<vmem>>[vector<16xi32>, vector<16xi32>], vector<16xf32>, vector<16xi1>
      %parallel_loop3A_189 = arith.mulf %parallel_loop3A_181, %broadcast_in_dim3A : vector<16xf32>
      %parallel_loop3A_190 = arith.select %parallel_loop3A_188, %parallel_loop3A_189, %parallel_loop3A_181 : vector<16xi1>, vector<16xf32>
      %parallel_loop3A_191 = arith.constant 13 : i32
      %parallel_loop3A_192 = arith.index_cast %parallel_loop3A_191 : i32 to index
      %parallel_loop3A_193 = arith.index_cast %parallel_loop3A_26 : i32 to index
      %parallel_loop3A_194 = tpu.vector_load %arg5[%parallel_loop3A_192, %parallel_loop3A_193] {strides = array<i32>} : memref<32x256xi32, #tpu.memory_space<vmem>>, vector<16xi32>,
      %parallel_loop3A_195 = arith.constant 0 : i32
      %parallel_loop3A_196 = vector.broadcast %parallel_loop3A_195 : i32 to vector<16xi32>
      %parallel_loop3A_197 = arith.cmpi ne, %parallel_loop3A_194, %parallel_loop3A_196 : vector<16xi32>
      tpu.vector_store_idx %arg6[%parallel_loop3A_28, %parallel_loop3A_194], %parallel_loop3A_190 masked %parallel_loop3A_197 {add = true} : memref<256x128xf32, #tpu.memory_space<vmem>>[vector<16xi32>, vector<16xi32>], vector<16xf32>, vector<16xi1>
      %parallel_loop3A_198 = arith.mulf %parallel_loop3A_190, %broadcast_in_dim3A : vector<16xf32>
      %parallel_loop3A_199 = arith.select %parallel_loop3A_197, %parallel_loop3A_198, %parallel_loop3A_190 : vector<16xi1>, vector<16xf32>
      %parallel_loop3A_200 = arith.constant 12 : i32
      %parallel_loop3A_201 = arith.index_cast %parallel_loop3A_200 : i32 to index
      %parallel_loop3A_202 = arith.index_cast %parallel_loop3A_26 : i32 to index
      %parallel_loop3A_203 = tpu.vector_load %arg5[%parallel_loop3A_201, %parallel_loop3A_202] {strides = array<i32>} : memref<32x256xi32, #tpu.memory_space<vmem>>, vector<16xi32>,
      %parallel_loop3A_204 = arith.constant 0 : i32
      %parallel_loop3A_205 = vector.broadcast %parallel_loop3A_204 : i32 to vector<16xi32>
      %parallel_loop3A_206 = arith.cmpi ne, %parallel_loop3A_203, %parallel_loop3A_205 : vector<16xi32>
      tpu.vector_store_idx %arg6[%parallel_loop3A_28, %parallel_loop3A_203], %parallel_loop3A_199 masked %parallel_loop3A_206 {add = true} : memref<256x128xf32, #tpu.memory_space<vmem>>[vector<16xi32>, vector<16xi32>], vector<16xf32>, vector<16xi1>
      %parallel_loop3A_207 = arith.mulf %parallel_loop3A_199, %broadcast_in_dim3A : vector<16xf32>
      %parallel_loop3A_208 = arith.select %parallel_loop3A_206, %parallel_loop3A_207, %parallel_loop3A_199 : vector<16xi1>, vector<16xf32>
      %parallel_loop3A_209 = arith.constant 11 : i32
      %parallel_loop3A_210 = arith.index_cast %parallel_loop3A_209 : i32 to index
      %parallel_loop3A_211 = arith.index_cast %parallel_loop3A_26 : i32 to index
      %parallel_loop3A_212 = tpu.vector_load %arg5[%parallel_loop3A_210, %parallel_loop3A_211] {strides = array<i32>} : memref<32x256xi32, #tpu.memory_space<vmem>>, vector<16xi32>,
      %parallel_loop3A_213 = arith.constant 0 : i32
      %parallel_loop3A_214 = vector.broadcast %parallel_loop3A_213 : i32 to vector<16xi32>
      %parallel_loop3A_215 = arith.cmpi ne, %parallel_loop3A_212, %parallel_loop3A_214 : vector<16xi32>
      tpu.vector_store_idx %arg6[%parallel_loop3A_28, %parallel_loop3A_212], %parallel_loop3A_208 masked %parallel_loop3A_215 {add = true} : memref<256x128xf32, #tpu.memory_space<vmem>>[vector<16xi32>, vector<16xi32>], vector<16xf32>, vector<16xi1>
      %parallel_loop3A_216 = arith.mulf %parallel_loop3A_208, %broadcast_in_dim3A : vector<16xf32>
      %parallel_loop3A_217 = arith.select %parallel_loop3A_215, %parallel_loop3A_216, %parallel_loop3A_208 : vector<16xi1>, vector<16xf32>
      %parallel_loop3A_218 = arith.constant 10 : i32
      %parallel_loop3A_219 = arith.index_cast %parallel_loop3A_218 : i32 to index
      %parallel_loop3A_220 = arith.index_cast %parallel_loop3A_26 : i32 to index
      %parallel_loop3A_221 = tpu.vector_load %arg5[%parallel_loop3A_219, %parallel_loop3A_220] {strides = array<i32>} : memref<32x256xi32, #tpu.memory_space<vmem>>, vector<16xi32>,
      %parallel_loop3A_222 = arith.constant 0 : i32
      %parallel_loop3A_223 = vector.broadcast %parallel_loop3A_222 : i32 to vector<16xi32>
      %parallel_loop3A_224 = arith.cmpi ne, %parallel_loop3A_221, %parallel_loop3A_223 : vector<16xi32>
      tpu.vector_store_idx %arg6[%parallel_loop3A_28, %parallel_loop3A_221], %parallel_loop3A_217 masked %parallel_loop3A_224 {add = true} : memref<256x128xf32, #tpu.memory_space<vmem>>[vector<16xi32>, vector<16xi32>], vector<16xf32>, vector<16xi1>
      %parallel_loop3A_225 = arith.mulf %parallel_loop3A_217, %broadcast_in_dim3A : vector<16xf32>
      %parallel_loop3A_226 = arith.select %parallel_loop3A_224, %parallel_loop3A_225, %parallel_loop3A_217 : vector<16xi1>, vector<16xf32>
      %parallel_loop3A_227 = arith.constant 9 : i32
      %parallel_loop3A_228 = arith.index_cast %parallel_loop3A_227 : i32 to index
      %parallel_loop3A_229 = arith.index_cast %parallel_loop3A_26 : i32 to index
      %parallel_loop3A_230 = tpu.vector_load %arg5[%parallel_loop3A_228, %parallel_loop3A_229] {strides = array<i32>} : memref<32x256xi32, #tpu.memory_space<vmem>>, vector<16xi32>,
      %parallel_loop3A_231 = arith.constant 0 : i32
      %parallel_loop3A_232 = vector.broadcast %parallel_loop3A_231 : i32 to vector<16xi32>
      %parallel_loop3A_233 = arith.cmpi ne, %parallel_loop3A_230, %parallel_loop3A_232 : vector<16xi32>
      tpu.vector_store_idx %arg6[%parallel_loop3A_28, %parallel_loop3A_230], %parallel_loop3A_226 masked %parallel_loop3A_233 {add = true} : memref<256x128xf32, #tpu.memory_space<vmem>>[vector<16xi32>, vector<16xi32>], vector<16xf32>, vector<16xi1>
      %parallel_loop3A_234 = arith.mulf %parallel_loop3A_226, %broadcast_in_dim3A : vector<16xf32>
      %parallel_loop3A_235 = arith.select %parallel_loop3A_233, %parallel_loop3A_234, %parallel_loop3A_226 : vector<16xi1>, vector<16xf32>
      %parallel_loop3A_236 = arith.constant 8 : i32
      %parallel_loop3A_237 = arith.index_cast %parallel_loop3A_236 : i32 to index
      %parallel_loop3A_238 = arith.index_cast %parallel_loop3A_26 : i32 to index
      %parallel_loop3A_239 = tpu.vector_load %arg5[%parallel_loop3A_237, %parallel_loop3A_238] {strides = array<i32>} : memref<32x256xi32, #tpu.memory_space<vmem>>, vector<16xi32>,
      %parallel_loop3A_240 = arith.constant 0 : i32
      %parallel_loop3A_241 = vector.broadcast %parallel_loop3A_240 : i32 to vector<16xi32>
      %parallel_loop3A_242 = arith.cmpi ne, %parallel_loop3A_239, %parallel_loop3A_241 : vector<16xi32>
      tpu.vector_store_idx %arg6[%parallel_loop3A_28, %parallel_loop3A_239], %parallel_loop3A_235 masked %parallel_loop3A_242 {add = true} : memref<256x128xf32, #tpu.memory_space<vmem>>[vector<16xi32>, vector<16xi32>], vector<16xf32>, vector<16xi1>
      %parallel_loop3A_243 = arith.mulf %parallel_loop3A_235, %broadcast_in_dim3A : vector<16xf32>
      %parallel_loop3A_244 = arith.select %parallel_loop3A_242, %parallel_loop3A_243, %parallel_loop3A_235 : vector<16xi1>, vector<16xf32>
      %parallel_loop3A_245 = arith.constant 7 : i32
      %parallel_loop3A_246 = arith.index_cast %parallel_loop3A_245 : i32 to index
      %parallel_loop3A_247 = arith.index_cast %parallel_loop3A_26 : i32 to index
      %parallel_loop3A_248 = tpu.vector_load %arg5[%parallel_loop3A_246, %parallel_loop3A_247] {strides = array<i32>} : memref<32x256xi32, #tpu.memory_space<vmem>>, vector<16xi32>,
      %parallel_loop3A_249 = arith.constant 0 : i32
      %parallel_loop3A_250 = vector.broadcast %parallel_loop3A_249 : i32 to vector<16xi32>
      %parallel_loop3A_251 = arith.cmpi ne, %parallel_loop3A_248, %parallel_loop3A_250 : vector<16xi32>
      tpu.vector_store_idx %arg6[%parallel_loop3A_28, %parallel_loop3A_248], %parallel_loop3A_244 masked %parallel_loop3A_251 {add = true} : memref<256x128xf32, #tpu.memory_space<vmem>>[vector<16xi32>, vector<16xi32>], vector<16xf32>, vector<16xi1>
      %parallel_loop3A_252 = arith.mulf %parallel_loop3A_244, %broadcast_in_dim3A : vector<16xf32>
      %parallel_loop3A_253 = arith.select %parallel_loop3A_251, %parallel_loop3A_252, %parallel_loop3A_244 : vector<16xi1>, vector<16xf32>
      %parallel_loop3A_254 = arith.constant 6 : i32
      %parallel_loop3A_255 = arith.index_cast %parallel_loop3A_254 : i32 to index
      %parallel_loop3A_256 = arith.index_cast %parallel_loop3A_26 : i32 to index
      %parallel_loop3A_257 = tpu.vector_load %arg5[%parallel_loop3A_255, %parallel_loop3A_256] {strides = array<i32>} : memref<32x256xi32, #tpu.memory_space<vmem>>, vector<16xi32>,
      %parallel_loop3A_258 = arith.constant 0 : i32
      %parallel_loop3A_259 = vector.broadcast %parallel_loop3A_258 : i32 to vector<16xi32>
      %parallel_loop3A_260 = arith.cmpi ne, %parallel_loop3A_257, %parallel_loop3A_259 : vector<16xi32>
      tpu.vector_store_idx %arg6[%parallel_loop3A_28, %parallel_loop3A_257], %parallel_loop3A_253 masked %parallel_loop3A_260 {add = true} : memref<256x128xf32, #tpu.memory_space<vmem>>[vector<16xi32>, vector<16xi32>], vector<16xf32>, vector<16xi1>
      %parallel_loop3A_261 = arith.mulf %parallel_loop3A_253, %broadcast_in_dim3A : vector<16xf32>
      %parallel_loop3A_262 = arith.select %parallel_loop3A_260, %parallel_loop3A_261, %parallel_loop3A_253 : vector<16xi1>, vector<16xf32>
      %parallel_loop3A_263 = arith.constant 5 : i32
      %parallel_loop3A_264 = arith.index_cast %parallel_loop3A_263 : i32 to index
      %parallel_loop3A_265 = arith.index_cast %parallel_loop3A_26 : i32 to index
      %parallel_loop3A_266 = tpu.vector_load %arg5[%parallel_loop3A_264, %parallel_loop3A_265] {strides = array<i32>} : memref<32x256xi32, #tpu.memory_space<vmem>>, vector<16xi32>,
      %parallel_loop3A_267 = arith.constant 0 : i32
      %parallel_loop3A_268 = vector.broadcast %parallel_loop3A_267 : i32 to vector<16xi32>
      %parallel_loop3A_269 = arith.cmpi ne, %parallel_loop3A_266, %parallel_loop3A_268 : vector<16xi32>
      tpu.vector_store_idx %arg6[%parallel_loop3A_28, %parallel_loop3A_266], %parallel_loop3A_262 masked %parallel_loop3A_269 {add = true} : memref<256x128xf32, #tpu.memory_space<vmem>>[vector<16xi32>, vector<16xi32>], vector<16xf32>, vector<16xi1>
      %parallel_loop3A_270 = arith.mulf %parallel_loop3A_262, %broadcast_in_dim3A : vector<16xf32>
      %parallel_loop3A_271 = arith.select %parallel_loop3A_269, %parallel_loop3A_270, %parallel_loop3A_262 : vector<16xi1>, vector<16xf32>
      %parallel_loop3A_272 = arith.constant 4 : i32
      %parallel_loop3A_273 = arith.index_cast %parallel_loop3A_272 : i32 to index
      %parallel_loop3A_274 = arith.index_cast %parallel_loop3A_26 : i32 to index
      %parallel_loop3A_275 = tpu.vector_load %arg5[%parallel_loop3A_273, %parallel_loop3A_274] {strides = array<i32>} : memref<32x256xi32, #tpu.memory_space<vmem>>, vector<16xi32>,
      %parallel_loop3A_276 = arith.constant 0 : i32
      %parallel_loop3A_277 = vector.broadcast %parallel_loop3A_276 : i32 to vector<16xi32>
      %parallel_loop3A_278 = arith.cmpi ne, %parallel_loop3A_275, %parallel_loop3A_277 : vector<16xi32>
      tpu.vector_store_idx %arg6[%parallel_loop3A_28, %parallel_loop3A_275], %parallel_loop3A_271 masked %parallel_loop3A_278 {add = true} : memref<256x128xf32, #tpu.memory_space<vmem>>[vector<16xi32>, vector<16xi32>], vector<16xf32>, vector<16xi1>
      %parallel_loop3A_279 = arith.mulf %parallel_loop3A_271, %broadcast_in_dim3A : vector<16xf32>
      %parallel_loop3A_280 = arith.select %parallel_loop3A_278, %parallel_loop3A_279, %parallel_loop3A_271 : vector<16xi1>, vector<16xf32>
      %parallel_loop3A_281 = arith.constant 3 : i32
      %parallel_loop3A_282 = arith.index_cast %parallel_loop3A_281 : i32 to index
      %parallel_loop3A_283 = arith.index_cast %parallel_loop3A_26 : i32 to index
      %parallel_loop3A_284 = tpu.vector_load %arg5[%parallel_loop3A_282, %parallel_loop3A_283] {strides = array<i32>} : memref<32x256xi32, #tpu.memory_space<vmem>>, vector<16xi32>,
      %parallel_loop3A_285 = arith.constant 0 : i32
      %parallel_loop3A_286 = vector.broadcast %parallel_loop3A_285 : i32 to vector<16xi32>
      %parallel_loop3A_287 = arith.cmpi ne, %parallel_loop3A_284, %parallel_loop3A_286 : vector<16xi32>
      tpu.vector_store_idx %arg6[%parallel_loop3A_28, %parallel_loop3A_284], %parallel_loop3A_280 masked %parallel_loop3A_287 {add = true} : memref<256x128xf32, #tpu.memory_space<vmem>>[vector<16xi32>, vector<16xi32>], vector<16xf32>, vector<16xi1>
      %parallel_loop3A_288 = arith.mulf %parallel_loop3A_280, %broadcast_in_dim3A : vector<16xf32>
      %parallel_loop3A_289 = arith.select %parallel_loop3A_287, %parallel_loop3A_288, %parallel_loop3A_280 : vector<16xi1>, vector<16xf32>
      %parallel_loop3A_290 = arith.constant 2 : i32
      %parallel_loop3A_291 = arith.index_cast %parallel_loop3A_290 : i32 to index
      %parallel_loop3A_292 = arith.index_cast %parallel_loop3A_26 : i32 to index
      %parallel_loop3A_293 = tpu.vector_load %arg5[%parallel_loop3A_291, %parallel_loop3A_292] {strides = array<i32>} : memref<32x256xi32, #tpu.memory_space<vmem>>, vector<16xi32>,
      %parallel_loop3A_294 = arith.constant 0 : i32
      %parallel_loop3A_295 = vector.broadcast %parallel_loop3A_294 : i32 to vector<16xi32>
      %parallel_loop3A_296 = arith.cmpi ne, %parallel_loop3A_293, %parallel_loop3A_295 : vector<16xi32>
      tpu.vector_store_idx %arg6[%parallel_loop3A_28, %parallel_loop3A_293], %parallel_loop3A_289 masked %parallel_loop3A_296 {add = true} : memref<256x128xf32, #tpu.memory_space<vmem>>[vector<16xi32>, vector<16xi32>], vector<16xf32>, vector<16xi1>
      %parallel_loop3A_297 = arith.mulf %parallel_loop3A_289, %broadcast_in_dim3A : vector<16xf32>
      %parallel_loop3A_298 = arith.select %parallel_loop3A_296, %parallel_loop3A_297, %parallel_loop3A_289 : vector<16xi1>, vector<16xf32>
      %parallel_loop3A_299 = arith.constant 1 : i32
      %parallel_loop3A_300 = arith.index_cast %parallel_loop3A_299 : i32 to index
      %parallel_loop3A_301 = arith.index_cast %parallel_loop3A_26 : i32 to index
      %parallel_loop3A_302 = tpu.vector_load %arg5[%parallel_loop3A_300, %parallel_loop3A_301] {strides = array<i32>} : memref<32x256xi32, #tpu.memory_space<vmem>>, vector<16xi32>,
      %parallel_loop3A_303 = arith.constant 0 : i32
      %parallel_loop3A_304 = vector.broadcast %parallel_loop3A_303 : i32 to vector<16xi32>
      %parallel_loop3A_305 = arith.cmpi ne, %parallel_loop3A_302, %parallel_loop3A_304 : vector<16xi32>
      tpu.vector_store_idx %arg6[%parallel_loop3A_28, %parallel_loop3A_302], %parallel_loop3A_298 masked %parallel_loop3A_305 {add = true} : memref<256x128xf32, #tpu.memory_space<vmem>>[vector<16xi32>, vector<16xi32>], vector<16xf32>, vector<16xi1>
      %parallel_loop3A_306 = arith.mulf %parallel_loop3A_298, %broadcast_in_dim3A : vector<16xf32>
      %parallel_loop3A_307 = arith.select %parallel_loop3A_305, %parallel_loop3A_306, %parallel_loop3A_298 : vector<16xi1>, vector<16xf32>
      %parallel_loop3A_308 = arith.constant 0 : i32
      %parallel_loop3A_309 = arith.index_cast %parallel_loop3A_308 : i32 to index
      %parallel_loop3A_310 = arith.index_cast %parallel_loop3A_26 : i32 to index
      %parallel_loop3A_311 = tpu.vector_load %arg5[%parallel_loop3A_309, %parallel_loop3A_310] {strides = array<i32>} : memref<32x256xi32, #tpu.memory_space<vmem>>, vector<16xi32>,
      %parallel_loop3A_312 = arith.constant 0 : i32
      %parallel_loop3A_313 = vector.broadcast %parallel_loop3A_312 : i32 to vector<16xi32>
      %parallel_loop3A_314 = arith.cmpi ne, %parallel_loop3A_311, %parallel_loop3A_313 : vector<16xi32>
      tpu.vector_store_idx %arg6[%parallel_loop3A_28, %parallel_loop3A_311], %parallel_loop3A_307 masked %parallel_loop3A_314 {add = true} : memref<256x128xf32, #tpu.memory_space<vmem>>[vector<16xi32>, vector<16xi32>], vector<16xf32>, vector<16xi1>
      %parallel_loop3A_315 = arith.mulf %parallel_loop3A_307, %broadcast_in_dim3A : vector<16xf32>
      %parallel_loop3A_316 = arith.select %parallel_loop3A_314, %parallel_loop3A_315, %parallel_loop3A_307 : vector<16xi1>, vector<16xf32>
      %parallel_loop3A_317 = arith.addi %mul3A_2, %parallel_loop3A_26 : i32
      %parallel_loop3A_318 = arith.constant 0 : i32
      %parallel_loop3A_319 = tpu.memref_slice %arg6[%parallel_loop3A_26, %parallel_loop3A_318] : memref<256x128xf32, #tpu.memory_space<vmem>> -> memref<16x128xf32, #tpu.memory_space<vmem>>
      %parallel_loop3A_320 = arith.constant 0 : i32
      %parallel_loop3A_321 = tpu.memref_slice %arg4[%parallel_loop3A_317, %parallel_loop3A_320] : memref<8192x128xf32, #tpu.memory_space<hbm>> -> memref<16x128xf32, #tpu.memory_space<hbm>>
      %parallel_loop3A_322 = arith.constant 0 : i32
      %parallel_loop3A_323 = tpu.memref_slice %arg4[%parallel_loop3A_317, %parallel_loop3A_322] : memref<8192x128xf32, #tpu.memory_space<hbm>> -> memref<16x128xf32, #tpu.memory_space<hbm>>
      %parallel_loop3A_324 = arith.constant 0 : i32
      %parallel_loop3A_325 = tpu.memref_slice %arg6[%parallel_loop3A_26, %parallel_loop3A_324] : memref<256x128xf32, #tpu.memory_space<vmem>> -> memref<16x128xf32, #tpu.memory_space<vmem>>
      tpu.enqueue_dma source(%parallel_loop3A_325 : memref<16x128xf32, #tpu.memory_space<vmem>>) target(%parallel_loop3A_323 : memref<16x128xf32, #tpu.memory_space<hbm>>) target_semaphore(%arg9 : memref<!tpu.dma_semaphore, #tpu.memory_space<semaphore_mem>>)
    } {sc.loop_unroll_factor = 1 : i64, sc.parallel_access}
    %scan3A = arith.constant 0 : i32
    %scan3A_19 = arith.constant 0 : i32
    %scan3A_20 = arith.constant 16 : i32
    %scan3A_21 = arith.addi %scan3A_19, %scan3A_20 : i32
    %scan3A_22 = arith.constant 1 : i32
    scf.for %scan3A_24 = %scan3A_19 to %scan3A_21 step %scan3A_22  : i32 {
      %mul3A_25 = arith.constant 16 : i32
      %mul3A_26 = arith.muli %scan3A_24, %mul3A_25 : i32
      %add3A_27 = arith.addi %mul3A_2, %mul3A_26 : i32
      %dma_wait3A_28 = arith.constant 0 : i32
      %dma_wait3A_29 = tpu.memref_slice %arg6[%mul3A_26, %dma_wait3A_28] : memref<256x128xf32, #tpu.memory_space<vmem>> -> memref<16x128xf32, #tpu.memory_space<vmem>>
      %dma_wait3A_30 = arith.constant 0 : i32
      %dma_wait3A_31 = tpu.memref_slice %arg4[%add3A_27, %dma_wait3A_30] : memref<8192x128xf32, #tpu.memory_space<hbm>> -> memref<16x128xf32, #tpu.memory_space<hbm>>
      %dma_wait3A_32 = arith.constant 0 : i32
      %dma_wait3A_33 = tpu.memref_slice %arg4[%add3A_27, %dma_wait3A_32] : memref<8192x128xf32, #tpu.memory_space<hbm>> -> memref<16x128xf32, #tpu.memory_space<hbm>>
      %dma_wait3A_34 = arith.constant 0 : i32
      %dma_wait3A_35 = tpu.memref_slice %arg6[%mul3A_26, %dma_wait3A_34] : memref<256x128xf32, #tpu.memory_space<vmem>> -> memref<16x128xf32, #tpu.memory_space<vmem>>
      tpu.wait_dma2 semaphore(%arg9 : memref<!tpu.dma_semaphore, #tpu.memory_space<semaphore_mem>>) src(%dma_wait3A_35 : memref<16x128xf32, #tpu.memory_space<vmem>>) dst(%dma_wait3A_33 : memref<16x128xf32, #tpu.memory_space<hbm>>)
    }
    %scan3A_23 = arith.constant 16 : i32
    return
  }
}

</mosaic_0001>

<sc_bundles>
// kernel: kernel.3.cloned.1.call-start
scs
__scs_entry_jumppad:
0x0: {  	(pc) =	sbr.rel $0x88, $3  }
0x1: {  	(tag) =	ssettag $0x0;
	lr =	simm.s32 $0x1  }
0x2: {  	[smem:$0x3F9F] =	sst lr;
	_ =	strace $0xD0000000  }
0x3: {  	_ = 	snop  }
0x4: {  	_ = 	snop  }
0x5: {  	_ = 	snop  }
0x6: {  	_ = 	snop  }
0x7: {  	_ = 	snop  }
__scs_overlays_trampoline_lowered:
0x8: {  	[smem:$0x3FAE] =	sst s0  }
0x9: {  	[smem:$0x3FAF] =	sst s1  }
0xa: {  	[smem:$0x3FB0] =	sst s2  }
0xb: {  	[smem:$0x3FB1] =	sst s3  }
0xc: {  	[smem:$0x3FB2] =	sst s4  }
0xd: {  	[smem:$0x3FB3] =	sst s5  }
0xe: {  	[smem:$0x3FB4] =	sst s6  }
0xf: {  	[smem:$0x3FB5] =	sst s7  }
0x10: {  	[smem:$0x3FB6] =	sst s8  }
0x11: {  	[smem:$0x3FB7] =	sst s9;
	s0 =	simm.s32 @!p0 $0x0  }
0x12: {  	s1 =	sld [smem:$0x3F9D];
	s0 =	simm.s32 @p0 $0x1  }
0x13: {  	[smem:$0x3FB8] =	sst s0;
	s0 =	simm.s32 @!p1 $0x0  }
0x14: {  	s2 =	sld [smem:$0x3F9C];
	s0 =	simm.s32 @p1 $0x1  }
0x15: {  	[smem:$0x3FB9] =	sst s0;
	s0 =	simm.s32 @!p2 $0x0  }
0x16: {  	s3 =	sld [smem:$0x3FDB];
	s0 =	simm.s32 @p2 $0x1  }
0x17: {  	s4 =	simm.s32 $0x1BF5;
	[smem:$0x3FBB] =	sst s0  }
0x18: {  	s0 =	sld [smem:$0x3F9E];
	_ =	swait.ge [sflag:s4], $0x0  }
0x19: {  	s7 =	sld [smem:$0x3F9F]  }
0x1a: {  	s8 =	sadd.s32 $0xFFFFE003, lr  }
0x1b: {  	s9 =	sadd.s32 $0xFFFFFEF7, lr;
	s5 =	simm.s32 $0xFFFFFFFF;
	p2 =	slt.u32 s8, $0xFFFFF086  }
0x1c: {  	p1 =	slt.u32 s9, $0xF7A;
	s5 =	simm.s32 @!p2 $0x0  }
0x1d: {  	s5 =	simm.s32 @p1 $0x1;
	p0 =	seq.s32 s7, s2  }
0x1e: {  	s7 =	smul.u32 @!p0 $0xF7A, s2;
	p2 =	seq.s32 @!p0 s5, $0x0  }
0x1f: {  	s9 =	smul.u32 $0xF7A, s1;
	s8 =	simm.s32 @!p0 $0x1BF5;
	p2 =	por !p2, p0  }
0x20: {  	[sflag:s8] =	ssyncset.s32 @!p0 $0xFFFFF086;
	s6 =	sadd.s32 @!p0 s3, s7;
	s7 =	simm.s32 @!p0 $0x108  }
0x21: {  	s3 =	sadd.s32 s3, s9;
	s6 =	sadd.s32 @!p0 $0x88, s6;
	s7 =	simm.s32 @p2 $0x1082  }
0x22: {  	[simem:s7], [sflag:s8] =	dma.local @!p0 [hbm:s6], $0xF7A  }
0x23: {  	s9 =	sor.u32 $0xD0000000, s2;
	s6 =	simm.s32 $0x108;
	_ =	swait.ge @!p0 [sflag:s8], $0x0  }
0x24: {  	s3 =	sadd.s32 $0x88, s3;
	s6 =	simm.s32 @!p1 $0x1082;
	[sflag:s4] =	ssyncset.s32 $0xFFFFF086  }
0x25: {  	[simem:s6], [sflag:s4] =	dma.local [hbm:s3], $0xF7A  }
0x26: {  	[smem:$0x3F9F] =	sst s1;
	(tag) =	ssettag s2;
	_ =	strace s9  }
0x27: {  	s1 =	sld [smem:$0x3FAF]  }
0x28: {  	s2 =	sld [smem:$0x3FB0]  }
0x29: {  	s4 =	sld [smem:$0x3FB2]  }
0x2a: {  	p0 =	seq.s32 s5, $0x0;
	s5 =	sld [smem:$0x3FB3]  }
0x2b: {  	s6 =	sld [smem:$0x3FB4]  }
0x2c: {  	s7 =	sld [smem:$0x3FB5]  }
0x2d: {  	s3 =	simm.s32 $0x108;
	s8 =	sld [smem:$0x3FB6]  }
0x2e: {  	s3 =	simm.s32 @!p0 $0x1082;
	s9 =	sld [smem:$0x3FB7]  }
0x2f: {  	lr =	sadd.s32 s0, s3;
	s0 =	sld [smem:$0x3FAE]  }
0x30: {  	s3 =	sld [smem:$0x3FB1]  }
0x31: {  	[smem:$0x3FBA] =	sst s10  }
0x32: {  	s10 =	sld [smem:$0x3FB8];
	_ =	sdelay $0x3  }
0x33: {  	p0 =	seq.s32 s10, $0x1;
	s10 =	sld [smem:$0x3FBA];
	_ =	sdelay $0x3  }
0x34: {  	[smem:$0x3FBA] =	sst s10  }
0x35: {  	s10 =	sld [smem:$0x3FB9];
	_ =	sdelay $0x3  }
0x36: {  	p1 =	seq.s32 s10, $0x1;
	s10 =	sld [smem:$0x3FBA];
	_ =	sdelay $0x3  }
0x37: {  	[smem:$0x3FBA] =	sst s10  }
0x38: {  	s10 =	sld [smem:$0x3FBB]  }
0x39: {  	_ = 	snop;
	(pc) =	sbr.ind lr, $3  }
0x3a: {  	_ = 	snop  }
0x3b: {  	_ = 	snop  }
0x3c: {  	p2 =	seq.s32 s10, $0x1;
	s10 =	sld [smem:$0x3FBA]  }
0x3d: {  	_ =	shalt  }
0x3e: {  	_ =	shalt  }
0x3f: {  	_ =	shalt  }
0x40: {  	_ =	shalt  }
0x41: {  	_ =	shalt  }
0x42: {  	_ =	shalt  }
0x43: {  	_ =	shalt  }
0x44: {  	_ =	shalt  }
0x45: {  	_ =	shalt  }
0x46: {  	_ =	shalt  }
0x47: {  	_ =	shalt  }
0x48: {  	_ =	shalt  }
0x49: {  	_ =	shalt  }
0x4a: {  	_ =	shalt  }
0x4b: {  	_ =	shalt  }
0x4c: {  	_ =	shalt  }
0x4d: {  	_ =	shalt  }
0x4e: {  	_ =	shalt  }
0x4f: {  	_ =	shalt  }
0x50: {  	_ =	shalt  }
0x51: {  	_ =	shalt  }
0x52: {  	_ =	shalt  }
0x53: {  	_ =	shalt  }
0x54: {  	_ =	shalt  }
0x55: {  	_ =	shalt  }
0x56: {  	_ =	shalt  }
0x57: {  	_ =	shalt  }
0x58: {  	_ =	shalt  }
0x59: {  	_ =	shalt  }
0x5a: {  	_ =	shalt  }
0x5b: {  	_ =	shalt  }
0x5c: {  	_ =	shalt  }
0x5d: {  	_ =	shalt  }
0x5e: {  	_ =	shalt  }
0x5f: {  	_ =	shalt  }
0x60: {  	_ =	shalt  }
0x61: {  	_ =	shalt  }
0x62: {  	_ =	shalt  }
0x63: {  	_ =	shalt  }
0x64: {  	_ =	shalt  }
0x65: {  	_ =	shalt  }
0x66: {  	_ =	shalt  }
0x67: {  	_ =	shalt  }
0x68: {  	_ =	shalt  }
0x69: {  	_ =	shalt  }
0x6a: {  	_ =	shalt  }
0x6b: {  	_ =	shalt  }
0x6c: {  	_ =	shalt  }
0x6d: {  	_ =	shalt  }
0x6e: {  	_ =	shalt  }
0x6f: {  	_ =	shalt  }
0x70: {  	_ =	shalt  }
0x71: {  	_ =	shalt  }
0x72: {  	_ =	shalt  }
0x73: {  	_ =	shalt  }
0x74: {  	_ =	shalt  }
0x75: {  	_ =	shalt  }
0x76: {  	_ =	shalt  }
0x77: {  	_ =	shalt  }
0x78: {  	_ =	shalt  }
0x79: {  	_ =	shalt  }
0x7a: {  	_ =	shalt  }
0x7b: {  	_ =	shalt  }
0x7c: {  	_ =	shalt  }
0x7d: {  	_ =	shalt  }
0x7e: {  	_ =	shalt  }
0x7f: {  	_ =	shalt  }
0x80: {  	_ =	shalt  }
0x81: {  	_ =	shalt  }
0x82: {  	_ =	shalt  }
0x83: {  	_ =	shalt  }
0x84: {  	_ =	shalt  }
0x85: {  	_ =	shalt  }
0x86: {  	_ =	shalt  }
0x87: {  	_ =	shalt  }
.Lfunc_end0:
.L_simem_size_0:
called_computation_lowered:
.L_overlay_start_0:
0x88: {  	s2 =	sld [smem:$0x3FD9]  }
0x89: {  	s3 =	sld [smem:$0x3FFE];
	_ =	sdelay $0x1  }
0x8a: {  	s1 =	srdreg.scid  }
0x8b: {  	s0 =	sand.u32 $0x1, s1  }
0x8c: {  	s18 =	sshll.u32 s0, $0xA;
	s2 =	sadd.s32 s3, s2  }
0x8d: {  	s2 =	sadd.s32 s2, s18  }
0x8e: {  	[smem:$0x3FC6] =	sst s2  }
0x8f: {  	_ = 	snop  }
0x90: {  	s2 =	sld [smem:$0x3FC9]  }
0x91: {  	s19 =	sld [smem:$0x3FC8]  }
0x92: {  	s4 =	sld [smem:$0x3FD0];
	(tm) =	ssettm $0x1  }
0x93: {  	s5 =	sld [smem:$0x3FFB];
	_ =	sdelay $0x3  }
0x94: {  	_ =	strace s5  }
0x95: {  	s5 =	sld [smem:$0x3FFC];
	_ =	sdelay $0x3  }
0x96: {  	_ =	strace s5  }
0x97: {  	s5 =	sld [smem:$0x3FFD];
	_ =	sdelay $0x3  }
0x98: {  	_ =	strace s5  }
0x99: {  	_ =	strace $0x8FFFFFFF  }
0x9a: {  	s20 =	sld [smem:$0x3FDB];
	_ =	sdelay $0x1  }
0x9b: {  	s6 =	simm.s32 $_scs_section_size  }
0x9c: {  	s7 =	simm.s32 $_size__tile_overlayer_lowered;
	s8 =	simm.s32 $_tile_overlayer_lowered  }
0x9d: {  	s23 =	simm.s32 $0x1BFF;
	s22 =	sshll.u32 s8, $0x1;
	s5 =	sadd.s32 s6, s20  }
0x9e: {  	s9 =	simm.s32 $0x0;
	s21 =	sshll.u32 s7, $0x1;
	s7 =	sadd.s32 s22, s5  }
0x9f: {  	[timem:s9], [sflag:s23] =	dma.local [hbm:s7], s21  }
0xa0: {  	_ =	swait.ge [sflag:s23], s21  }
0xa1: {  	s6 =	ssub.s32 $0x0, s21;
	[sflag:s23] =	ssyncset.done $0x0  }
0xa2: {  	[sflag:s23] =	ssyncadd.s32 s6;
	_ =	sdelay $0x1  }
0xa3: {  	s24 =	simm.s32 $0x1B8B  }
0xa4: {  	_ =	swait.ge [sflag:s24], $0x1  }
0xa5: {  	[sflag:s24] =	ssyncset.done $0x0  }
0xa6: {  	s25 =	simm.s32 $0x1B8E;
	[sflag:s24] =	ssyncadd.s32 $0xFFFFFFFF  }
0xa7: {  	s26 =	simm.s32 $execute0_lowered;
	[smem:$0x3FD2] =	sst s25  }
0xa8: {  	s6 =	sshll.u32 s26, $0x1;
	_ =	strace $0x80000046;
	[dreg:$0x1] =	wrdreg $0xFFFFFFFF  }
0xa9: {  	s28 =	simm.s32 $_size_execute0_lowered;
	s5 =	sadd.s32 s5, s6;
	[dreg:$0x0] =	wrdreg $0x0  }
0xaa: {  	s6 =	sshll.u32 s28, $0x1;
	[dreg:$0x2] =	wrdreg s5  }
0xab: {  	[dreg:$0x3] =	wrdreg s6  }
0xac: {  	[dreg:$0x4] =	wrdreg $0xC0  }
0xad: {  	_ =	task [dreg:s9], $0x5FFFF  }
0xae: {  	[dreg:$0x1] =	wrdreg $0xFFFFFFFF  }
0xaf: {  	[dreg:$0x0] =	wrdreg $0x60  }
0xb0: {  	[dreg:$0x2] =	wrdreg s2  }
0xb1: {  	[dreg:$0x3] =	wrdreg s19  }
0xb2: {  	[dreg:$0x4] =	wrdreg s4  }
0xb3: {  	[dreg:$0x5] =	wrdreg $0x9  }
0xb4: {  	_ =	task.clear_ibuf [dreg:s9], $0x6FFFF;
	_ =	strace $0x90000046  }
0xb5: {  	s29 =	simm.s32 $0x9;
	_ =	strace $0x80000048  }
0xb6: {  	_ =	swait.ge [sflag:s29], $0x1  }
0xb7: {  	[sflag:s29] =	ssyncadd.s32 $0xFFFFFFFF  }
0xb8: {  	_ =	strace $0x90000048  }
0xb9: {  	_ =	sfence  }
0xba: {  	s30 =	sld [smem:$0x0];
	_ =	sdelay $0x2  }
0xbb: {  	s31 =	sshll.u32 s1, $0xD;
	s1 =	sshrl.u32 s1, $0x2  }
0xbc: {  	s3 =	sand.u32 $0x4000, s31;
	s1 =	sadd.s32 s1, s30  }
0xbd: {  	s0 =	sor.u32 s3, s0;
	s1 =	sshll.u32 s1, $0x11  }
0xbe: {  	s0 =	sor.u32 s1, s0  }
0xbf: {  	s0 =	sadd.s32 $0x8F2B, s0  }
0xc0: {  	[sflag:s0] =	ssyncadd.remote.s32 $0x1  }
0xc1: {  	_ =	sfence.sel $0xFFFF  }
0xc2: {  	[dreg:$0x0] =	wrdreg $0xFFFFFFFF;
	(pc) =	sbr.abs _section_cstart, $3  }
0xc3: {  	[dreg:$0x1] =	wrdreg $0xFFFFFFFF  }
0xc4: {  	_ =	task.clear_ibuf [dreg:s9], $0x2FFFF;
	_ =	strace $0x9FFFFFFF  }
0xc5: {  	(tm) =	ssettm $0x7FFFFFFF  }
tec
execute0_lowered:
.L_overlay_start_1:
0x0: {  	(tag) =	ssettag $0x1  }
0x1: {  	s0 =	rddreg [dreg:$0x0]  }
0x2: {  	s1 =	rddreg [dreg:$0x2];
	s3 =	simm.s32 $0x0  }
0x3: {  	s2 =	srdreg.scid;
	s8 =	stileid.u32;
	s9 =	simm.s32 $0xA000  }
0x4: {  	s10 =	simm.s32 $0x3;
	s11 =	simm.s32 $0x1;
	s12 =	simm.s32 $0x2000  }
0x5: {  	s13 =	simm.s32 $0x2;
	s14 =	simm.s32 $0x0;
	[smem:$0x7FF] =	sst s3  }
0x6: {  	s2 =	sand.u32 $0x1, s2;
	s5 =	sshll.u32 s8, $0x9;
	s30 =	sshll.u32 s8, $0xD  }
0x7: {  	s8 =	simm.s32 $0x10000;
	s4 =	ssub.s32 $0x2, s2;
	s6 =	sshll.u32 s2, $0x8  }
0x8: {  	s31 =	sshll.u32 s2, $0xC;
	s7 =	sshrl.u32 s4, $0x1;
	s5 =	sor.u32 s6, s5  }
0x9: {  	v1 =	vlaneseq.u32;
	s29 =	ssub.s32 s4, s7;
	s4 =	sadd.s32 s0, s5;
	s0 =	sadd.s32 s30, s1  }
0xa: {  	v0 =	vimm.f32 $0.0e+00;
	v2 =	vimm.f32 $1.000000000e+00;
	v1 =	vmul.u32 $0x80, v1;
	_ =	strace $0x80000047;
	s5 =	smax.u32 s29, $0x1;
	s6 =	sadd.s32 s31, s0  }
.LBB2_1:
0xb: {  	s0 =	simm.s32 $0x800  }
0xc: {  	[tilespmem:s3], [sflag:$0x1] =	stream.strided.gather [hbm4b:s4+s0], $0x2000, s8, s0, $0x38;
	[tilespmem:$0xA080] =	vst v63  }
0xd: {  	s31 =	rddreg [dreg:$0x1]  }
0xe: {  	[tilespmem:s9], [sflag:$0x3] =	stream.linear.gather [hbm4b:s31+s3], $0x1, $0x38;
	[tilespmem:$0xA080] =	vst v63  }
0xf: {  	_ =	swait.ge [sflag:s10], $0x1  }
0x10: {  	[sflag:s10] =	ssyncset.done $0x0  }
0x11: {  	[sflag:s10] =	ssyncadd.s32 $0xFFFFFFFF  }
0x12: {  	s1 =	simm.s32 $0x200;
	s0 =	simm.s32 $0x0;
	v3 =	vld [tilespmem:$0xA000]  }
.LBB2_2:
0x13: {  	p0 =	sne.s32 s1, $0x1FE00;
	[tilespmem:s0+$0x2070] =	vst v0  }
0x14: {  	[tilespmem:s0+$0x2000] =	vst v0  }
0x15: {  	[tilespmem:s0+$0x2010] =	vst v0  }
.Ltmp0:
0x16: {  	[tilespmem:s0+$0x2020] =	vst v0;
	(pc) =	sbr.rel @p0 .LBB2_2-.Ltmp0, $4  }
0x17: {  	[tilespmem:s0+$0x2030] =	vst v0  }
0x18: {  	[tilespmem:s0+$0x2040] =	vst v0  }
0x19: {  	[tilespmem:s0+$0x2050] =	vst v0  }
0x1a: {  	[tilespmem:s0+$0x2060] =	vst v0;
	s0 =	sshra.s32 s1, $0x2;
	s1 =	sadd.s32 $0x200, s1  }
0x1b: {  	[tilespmem:s0+$0x2070] =	vst v0  }
0x1c: {  	[tilespmem:s0+$0x2000] =	vst v0  }
0x1d: {  	[tilespmem:s0+$0x2010] =	vst v0  }
0x1e: {  	[tilespmem:s0+$0x2020] =	vst v0  }
0x1f: {  	[tilespmem:s0+$0x2030] =	vst v0  }
0x20: {  	[tilespmem:s0+$0x2040] =	vst v0  }
0x21: {  	[tilespmem:s0+$0x2050] =	vst v0  }
0x22: {  	[tilespmem:s0+$0x2060] =	vst v0  }
0x23: {  	s23 =	simm.s32 $0x0;
	_ =	swait.ge [sflag:s11], $0x2000  }
0x24: {  	s21 =	sand.u32 $0x70, s23;
	s1 =	sand.u32 $0x400, s23;
	[sflag:s11] =	ssyncset.done $0x0  }
0x25: {  	s0 =	sor.u32 s21, s1;
	[sflag:s11] =	ssyncadd.s32 $0xFFFFE000  }
0x26: {  	v4 =	vld [tilespmem:s0+$0x1B80];
	_ =	sdelay $0x2  }
0x27: {  	v5 =	vmov s23  }
0x28: {  	v5 =	vshll.u32 v5, $0x7  }
0x29: {  	v9 =	vor.u32 v1, v5;
	v5 =	vand.u32 $0xFFFFFF80, v4  }
0x2a: {  	vm0 =	vne.s32 v4, $0x0;
	v4 =	vand.u32 $0x7F, v4;
	v5 =	vadd.s32 v9, v5  }
0x2b: {  	v4 =	vor.u32 v4, v5;
	_ =	sdelay $0x4  }
0x2c: {  	[tilespmem:v4+s12+$0x0] =	vst.idx.add.f32.msk vm0, v2  }
0x2d: {  	v4 =	vld [tilespmem:s0+$0x1B00];
	_ =	sdelay $0x4  }
0x2e: {  	v5 =	vand.u32 $0xFFFFFF80, v4  }
0x2f: {  	vm1 =	vne.s32 v4, $0x0;
	v4 =	vand.u32 $0x7F, v4;
	v5 =	vadd.s32 v9, v5  }
0x30: {  	v4 =	vor.u32 v4, v5;
	_ =	sdelay $0x1  }
0x31: {  	v3 =	vbroadcast v3, $0x0;
	_ =	sdelay $0x1  }
0x32: {  	v5 =	vnsel vm0, $0x3F800000, v3  }
0x33: {  	[tilespmem:v4+s12+$0x0] =	vst.idx.add.f32.msk vm1, v5  }
0x34: {  	v4 =	vld [tilespmem:s0+$0x1A80];
	_ =	sdelay $0x4  }
0x35: {  	v6 =	vand.u32 $0xFFFFFF80, v4  }
0x36: {  	vm0 =	vne.s32 v4, $0x0;
	v4 =	vand.u32 $0x7F, v4;
	v6 =	vadd.s32 v9, v6  }
0x37: {  	v4 =	vor.u32 v4, v6;
	_ =	sdelay $0x1  }
0x38: {  	v6 =	vmul.f32 v5, v3;
	_ =	sdelay $0x1  }
0x39: {  	v5 =	vsel vm1, v6, v5  }
0x3a: {  	[tilespmem:v4+s12+$0x0] =	vst.idx.add.f32.msk vm0, v5  }
0x3b: {  	v4 =	vld [tilespmem:s0+$0x1A00];
	_ =	sdelay $0x4  }
0x3c: {  	v6 =	vand.u32 $0xFFFFFF80, v4  }
0x3d: {  	vm1 =	vne.s32 v4, $0x0;
	v4 =	vand.u32 $0x7F, v4;
	v6 =	vadd.s32 v9, v6  }
0x3e: {  	v4 =	vor.u32 v4, v6;
	_ =	sdelay $0x1  }
0x3f: {  	v6 =	vmul.f32 v5, v3;
	_ =	sdelay $0x1  }
0x40: {  	v5 =	vsel vm0, v6, v5  }
0x41: {  	[tilespmem:v4+s12+$0x0] =	vst.idx.add.f32.msk vm1, v5  }
0x42: {  	v4 =	vld [tilespmem:s0+$0x1980];
	_ =	sdelay $0x4  }
0x43: {  	v6 =	vand.u32 $0xFFFFFF80, v4  }
0x44: {  	vm0 =	vne.s32 v4, $0x0;
	v4 =	vand.u32 $0x7F, v4;
	v6 =	vadd.s32 v9, v6  }
0x45: {  	v4 =	vor.u32 v4, v6;
	_ =	sdelay $0x1  }
0x46: {  	v6 =	vmul.f32 v5, v3;
	_ =	sdelay $0x1  }
0x47: {  	v5 =	vsel vm1, v6, v5  }
0x48: {  	[tilespmem:v4+s12+$0x0] =	vst.idx.add.f32.msk vm0, v5  }
0x49: {  	v4 =	vld [tilespmem:s0+$0x1900];
	_ =	sdelay $0x4  }
0x4a: {  	v6 =	vand.u32 $0xFFFFFF80, v4  }
0x4b: {  	vm1 =	vne.s32 v4, $0x0;
	v4 =	vand.u32 $0x7F, v4;
	v6 =	vadd.s32 v9, v6  }
0x4c: {  	s2 =	simm.s32 $0x10;
	s29 =	simm.s32 $0x80;
	v4 =	vor.u32 v4, v6  }
0x4d: {  	s22 =	sand.u32 $0x70, s2;
	s15 =	sand.u32 $0x400, s29  }
0x4e: {  	s15 =	sor.u32 s22, s15;
	v6 =	vmul.f32 v5, v3  }
0x4f: {  	v7 =	vld [tilespmem:s15+$0x1B80]  }
0x50: {  	v5 =	vsel vm0, v6, v5  }
0x51: {  	[tilespmem:v4+s12+$0x0] =	vst.idx.add.f32.msk vm1, v5  }
0x52: {  	v4 =	vmov s2;
	v6 =	vld [tilespmem:s0+$0x1880]  }
0x53: {  	v4 =	vshll.u32 v4, $0x7  }
0x54: {  	v8 =	vand.u32 $0xFFFFFF80, v7;
	v4 =	vor.u32 v1, v4  }
0x55: {  	vm0 =	vne.s32 v7, $0x0;
	v7 =	vand.u32 $0x7F, v7;
	v8 =	vadd.s32 v4, v8  }
0x56: {  	v7 =	vor.u32 v7, v8  }
0x57: {  	v8 =	vand.u32 $0xFFFFFF80, v6  }
0x58: {  	vm2 =	vne.s32 v6, $0x0;
	v6 =	vand.u32 $0x7F, v6;
	v8 =	vadd.s32 v9, v8  }
0x59: {  	v6 =	vor.u32 v6, v8;
	_ =	sdelay $0x1  }
0x5a: {  	[tilespmem:v7+s12+$0x0] =	vst.idx.add.f32.msk vm0, v2;
	v7 =	vmul.f32 v5, v3;
	_ =	sdelay $0x1  }
0x5b: {  	v8 =	vld [tilespmem:s15+$0x1B00];
	v5 =	vsel vm1, v7, v5  }
0x5c: {  	[tilespmem:v6+s12+$0x0] =	vst.idx.add.f32.msk vm2, v5  }
0x5d: {  	v6 =	vld [tilespmem:s0+$0x1800];
	_ =	sdelay $0x2  }
0x5e: {  	v7 =	vand.u32 $0xFFFFFF80, v8  }
0x5f: {  	vm1 =	vne.s32 v8, $0x0;
	v8 =	vand.u32 $0x7F, v8;
	v7 =	vadd.s32 v4, v7  }
0x60: {  	v7 =	vor.u32 v8, v7;
	v8 =	vand.u32 $0xFFFFFF80, v6  }
0x61: {  	vm3 =	vne.s32 v6, $0x0;
	v6 =	vand.u32 $0x7F, v6;
	v8 =	vadd.s32 v9, v8  }
0x62: {  	v6 =	vor.u32 v6, v8;
	_ =	sdelay $0x1  }
0x63: {  	v10 =	vmul.f32 v5, v3;
	v8 =	vnsel vm0, $0x3F800000, v3  }
0x64: {  	[tilespmem:v7+s12+$0x0] =	vst.idx.add.f32.msk vm1, v8  }
0x65: {  	v5 =	vsel vm2, v10, v5;
	v7 =	vld [tilespmem:s15+$0x1A80]  }
0x66: {  	[tilespmem:v6+s12+$0x0] =	vst.idx.add.f32.msk vm3, v5  }
0x67: {  	v6 =	vld [tilespmem:s0+$0x1380];
	_ =	sdelay $0x2  }
0x68: {  	v10 =	vand.u32 $0xFFFFFF80, v7  }
0x69: {  	vm0 =	vne.s32 v7, $0x0;
	v7 =	vand.u32 $0x7F, v7;
	v10 =	vadd.s32 v4, v10  }
0x6a: {  	v7 =	vor.u32 v7, v10;
	v11 =	vand.u32 $0xFFFFFF80, v6  }
0x6b: {  	vm2 =	vne.s32 v6, $0x0;
	v6 =	vand.u32 $0x7F, v6;
	v11 =	vadd.s32 v9, v11  }
0x6c: {  	v10 =	vmul.f32 v8, v3;
	v6 =	vor.u32 v6, v11;
	_ =	sdelay $0x1  }
0x6d: {  	v8 =	vsel vm1, v10, v8;
	v10 =	vmul.f32 v5, v3  }
0x6e: {  	[tilespmem:v7+s12+$0x0] =	vst.idx.add.f32.msk vm0, v8  }
0x6f: {  	v5 =	vsel vm3, v10, v5;
	v7 =	vld [tilespmem:s15+$0x1A00]  }
0x70: {  	[tilespmem:v6+s12+$0x0] =	vst.idx.add.f32.msk vm2, v5  }
0x71: {  	v6 =	vld [tilespmem:s0+$0x1300];
	_ =	sdelay $0x2  }
0x72: {  	v10 =	vand.u32 $0xFFFFFF80, v7  }
0x73: {  	vm1 =	vne.s32 v7, $0x0;
	v7 =	vand.u32 $0x7F, v7;
	v10 =	vadd.s32 v4, v10  }
0x74: {  	v7 =	vor.u32 v7, v10;
	v11 =	vand.u32 $0xFFFFFF80, v6  }
0x75: {  	vm4 =	vne.s32 v6, $0x0;
	v6 =	vand.u32 $0x7F, v6;
	v11 =	vadd.s32 v9, v11  }
0x76: {  	v10 =	vmul.f32 v8, v3;
	v6 =	vor.u32 v6, v11;
	_ =	sdelay $0x1  }
0x77: {  	v8 =	vsel vm0, v10, v8;
	v10 =	vmul.f32 v5, v3  }
0x78: {  	[tilespmem:v7+s12+$0x0] =	vst.idx.add.f32.msk vm1, v8  }
0x79: {  	v5 =	vsel vm2, v10, v5;
	v7 =	vld [tilespmem:s15+$0x1980]  }
0x7a: {  	[tilespmem:v6+s12+$0x0] =	vst.idx.add.f32.msk vm4, v5  }
0x7b: {  	v6 =	vld [tilespmem:s0+$0x1280];
	_ =	sdelay $0x2  }
0x7c: {  	v10 =	vand.u32 $0xFFFFFF80, v7  }
0x7d: {  	vm2 =	vne.s32 v7, $0x0;
	v7 =	vand.u32 $0x7F, v7;
	v10 =	vadd.s32 v4, v10  }
0x7e: {  	v7 =	vor.u32 v7, v10;
	v11 =	vand.u32 $0xFFFFFF80, v6  }
0x7f: {  	vm3 =	vne.s32 v6, $0x0;
	v6 =	vand.u32 $0x7F, v6;
	v11 =	vadd.s32 v9, v11  }
0x80: {  	v10 =	vmul.f32 v8, v3;
	v6 =	vor.u32 v6, v11;
	_ =	sdelay $0x1  }
0x81: {  	v8 =	vsel vm1, v10, v8;
	v10 =	vmul.f32 v5, v3  }
0x82: {  	[tilespmem:v7+s12+$0x0] =	vst.idx.add.f32.msk vm2, v8  }
0x83: {  	v5 =	vsel vm4, v10, v5;
	v7 =	vld [tilespmem:s15+$0x1900]  }
0x84: {  	[tilespmem:v6+s12+$0x0] =	vst.idx.add.f32.msk vm3, v5  }
0x85: {  	v6 =	vld [tilespmem:s0+$0x1200];
	_ =	sdelay $0x2  }
0x86: {  	v10 =	vand.u32 $0xFFFFFF80, v7  }
0x87: {  	vm0 =	vne.s32 v7, $0x0;
	v7 =	vand.u32 $0x7F, v7;
	v10 =	vadd.s32 v4, v10  }
0x88: {  	s19 =	simm.s32 $0x20;
	s18 =	simm.s32 $0x100;
	v7 =	vor.u32 v7, v10;
	v11 =	vand.u32 $0xFFFFFF80, v6  }
0x89: {  	s24 =	sand.u32 $0x70, s19;
	s16 =	sand.u32 $0x400, s18;
	vm1 =	vne.s32 v6, $0x0;
	v6 =	vand.u32 $0x7F, v6;
	v11 =	vadd.s32 v9, v11  }
0x8a: {  	s16 =	sor.u32 s24, s16;
	v10 =	vmul.f32 v8, v3;
	v6 =	vor.u32 v6, v11  }
0x8b: {  	v11 =	vld [tilespmem:s16+$0x1B80]  }
0x8c: {  	v8 =	vsel vm2, v10, v8;
	v10 =	vmul.f32 v5, v3  }
0x8d: {  	[tilespmem:v7+s12+$0x0] =	vst.idx.add.f32.msk vm0, v8  }
0x8e: {  	v12 =	vmov s19;
	v10 =	vsel vm3, v10, v5;
	v7 =	vld [tilespmem:s15+$0x1880]  }
0x8f: {  	v5 =	vshll.u32 v12, $0x7;
	[tilespmem:v6+s12+$0x0] =	vst.idx.add.f32.msk vm1, v10  }
0x90: {  	v5 =	vor.u32 v1, v5;
	v6 =	vand.u32 $0xFFFFFF80, v11;
	v12 =	vld [tilespmem:s0+$0x1180]  }
0x91: {  	vm3 =	vne.s32 v11, $0x0;
	v11 =	vand.u32 $0x7F, v11;
	v6 =	vadd.s32 v5, v6  }
0x92: {  	v6 =	vor.u32 v11, v6  }
0x93: {  	v11 =	vand.u32 $0xFFFFFF80, v7  }
0x94: {  	vm2 =	vne.s32 v7, $0x0;
	v7 =	vand.u32 $0x7F, v7;
	v11 =	vadd.s32 v4, v11  }
0x95: {  	v7 =	vor.u32 v7, v11;
	v13 =	vand.u32 $0xFFFFFF80, v12  }
0x96: {  	vm5 =	vne.s32 v12, $0x0;
	v12 =	vand.u32 $0x7F, v12;
	v13 =	vadd.s32 v9, v13  }
0x97: {  	v11 =	vmul.f32 v8, v3;
	[tilespmem:v6+s12+$0x0] =	vst.idx.add.f32.msk vm3, v2;
	v6 =	vor.u32 v12, v13;
	_ =	sdelay $0x1  }
0x98: {  	v8 =	vsel vm0, v11, v8;
	v11 =	vmul.f32 v10, v3;
	v12 =	vld [tilespmem:s16+$0x1B00]  }
0x99: {  	[tilespmem:v7+s12+$0x0] =	vst.idx.add.f32.msk vm2, v8  }
0x9a: {  	v10 =	vsel vm1, v11, v10;
	v7 =	vld [tilespmem:s15+$0x1800]  }
0x9b: {  	[tilespmem:v6+s12+$0x0] =	vst.idx.add.f32.msk vm5, v10  }
0x9c: {  	v11 =	vld [tilespmem:s0+$0x1100]  }
0x9d: {  	v6 =	vand.u32 $0xFFFFFF80, v12  }
0x9e: {  	vm4 =	vne.s32 v12, $0x0;
	v12 =	vand.u32 $0x7F, v12;
	v6 =	vadd.s32 v5, v6  }
0x9f: {  	v6 =	vor.u32 v12, v6;
	v12 =	vand.u32 $0xFFFFFF80, v7  }
0xa0: {  	vm0 =	vne.s32 v7, $0x0;
	v7 =	vand.u32 $0x7F, v7;
	v12 =	vadd.s32 v4, v12  }
0xa1: {  	v7 =	vor.u32 v7, v12;
	v12 =	vnsel vm3, $0x3F800000, v3;
	v14 =	vand.u32 $0xFFFFFF80, v11  }
0xa2: {  	vm3 =	vne.s32 v11, $0x0;
	v11 =	vand.u32 $0x7F, v11;
	v14 =	vadd.s32 v9, v14  }
0xa3: {  	v13 =	vmul.f32 v8, v3;
	v11 =	vor.u32 v11, v14  }
0xa4: {  	[tilespmem:v6+s12+$0x0] =	vst.idx.add.f32.msk vm4, v12  }
0xa5: {  	v6 =	vsel vm2, v13, v8;
	v13 =	vmul.f32 v10, v3;
	v8 =	vld [tilespmem:s16+$0x1A80]  }
0xa6: {  	[tilespmem:v7+s12+$0x0] =	vst.idx.add.f32.msk vm0, v6  }
0xa7: {  	v10 =	vsel vm5, v13, v10;
	v7 =	vld [tilespmem:s15+$0x1380]  }
0xa8: {  	[tilespmem:v11+s12+$0x0] =	vst.idx.add.f32.msk vm3, v10  }
0xa9: {  	v11 =	vld [tilespmem:s0+$0x1080]  }
0xaa: {  	v13 =	vand.u32 $0xFFFFFF80, v8  }
0xab: {  	vm2 =	vne.s32 v8, $0x0;
	v8 =	vand.u32 $0x7F, v8;
	v13 =	vadd.s32 v5, v13  }
0xac: {  	v14 =	vmul.f32 v12, v3;
	v8 =	vor.u32 v8, v13;
	v13 =	vand.u32 $0xFFFFFF80, v7  }
0xad: {  	vm1 =	vne.s32 v7, $0x0;
	v7 =	vand.u32 $0x7F, v7;
	v13 =	vadd.s32 v4, v13  }
0xae: {  	v12 =	vsel vm4, v14, v12;
	v7 =	vor.u32 v7, v13;
	v14 =	vand.u32 $0xFFFFFF80, v11  }
0xaf: {  	vm4 =	vne.s32 v11, $0x0;
	v11 =	vand.u32 $0x7F, v11;
	v14 =	vadd.s32 v9, v14  }
0xb0: {  	v13 =	vmul.f32 v6, v3;
	v11 =	vor.u32 v11, v14  }
0xb1: {  	[tilespmem:v8+s12+$0x0] =	vst.idx.add.f32.msk vm2, v12  }
0xb2: {  	v6 =	vsel vm0, v13, v6;
	v13 =	vmul.f32 v10, v3;
	v8 =	vld [tilespmem:s16+$0x1A00]  }
0xb3: {  	[tilespmem:v7+s12+$0x0] =	vst.idx.add.f32.msk vm1, v6  }
0xb4: {  	v10 =	vsel vm3, v13, v10;
	v7 =	vld [tilespmem:s15+$0x1300]  }
0xb5: {  	[tilespmem:v11+s12+$0x0] =	vst.idx.add.f32.msk vm4, v10  }
0xb6: {  	v11 =	vld [tilespmem:s0+$0x1000]  }
0xb7: {  	v13 =	vand.u32 $0xFFFFFF80, v8  }
0xb8: {  	vm3 =	vne.s32 v8, $0x0;
	v8 =	vand.u32 $0x7F, v8;
	v13 =	vadd.s32 v5, v13  }
0xb9: {  	v14 =	vmul.f32 v12, v3;
	v8 =	vor.u32 v8, v13;
	v13 =	vand.u32 $0xFFFFFF80, v7  }
0xba: {  	vm0 =	vne.s32 v7, $0x0;
	v7 =	vand.u32 $0x7F, v7;
	v13 =	vadd.s32 v4, v13  }
0xbb: {  	v12 =	vsel vm2, v14, v12;
	v7 =	vor.u32 v7, v13;
	v14 =	vand.u32 $0xFFFFFF80, v11  }
0xbc: {  	vm5 =	vne.s32 v11, $0x0;
	v11 =	vand.u32 $0x7F, v11;
	v14 =	vadd.s32 v9, v14  }
0xbd: {  	v13 =	vmul.f32 v6, v3;
	v11 =	vor.u32 v11, v14  }
0xbe: {  	[tilespmem:v8+s12+$0x0] =	vst.idx.add.f32.msk vm3, v12  }
0xbf: {  	v6 =	vsel vm1, v13, v6;
	v13 =	vmul.f32 v10, v3;
	v8 =	vld [tilespmem:s16+$0x1980]  }
0xc0: {  	[tilespmem:v7+s12+$0x0] =	vst.idx.add.f32.msk vm0, v6  }
0xc1: {  	v10 =	vsel vm4, v13, v10;
	v7 =	vld [tilespmem:s15+$0x1280]  }
0xc2: {  	[tilespmem:v11+s12+$0x0] =	vst.idx.add.f32.msk vm5, v10  }
0xc3: {  	v11 =	vld [tilespmem:s0+$0xB80]  }
0xc4: {  	v13 =	vand.u32 $0xFFFFFF80, v8  }
0xc5: {  	vm2 =	vne.s32 v8, $0x0;
	v8 =	vand.u32 $0x7F, v8;
	v13 =	vadd.s32 v5, v13  }
0xc6: {  	v14 =	vmul.f32 v12, v3;
	v8 =	vor.u32 v8, v13;
	v13 =	vand.u32 $0xFFFFFF80, v7  }
0xc7: {  	vm4 =	vne.s32 v7, $0x0;
	v7 =	vand.u32 $0x7F, v7;
	v13 =	vadd.s32 v4, v13  }
0xc8: {  	v12 =	vsel vm3, v14, v12;
	v7 =	vor.u32 v7, v13;
	v14 =	vand.u32 $0xFFFFFF80, v11  }
0xc9: {  	vm3 =	vne.s32 v11, $0x0;
	v11 =	vand.u32 $0x7F, v11;
	v14 =	vadd.s32 v9, v14  }
0xca: {  	v13 =	vmul.f32 v6, v3;
	v11 =	vor.u32 v11, v14  }
0xcb: {  	[tilespmem:v8+s12+$0x0] =	vst.idx.add.f32.msk vm2, v12  }
0xcc: {  	v6 =	vsel vm0, v13, v6;
	v13 =	vmul.f32 v10, v3;
	v8 =	vld [tilespmem:s16+$0x1900]  }
0xcd: {  	[tilespmem:v7+s12+$0x0] =	vst.idx.add.f32.msk vm4, v6  }
0xce: {  	v10 =	vsel vm5, v13, v10;
	v7 =	vld [tilespmem:s15+$0x1200]  }
0xcf: {  	[tilespmem:v11+s12+$0x0] =	vst.idx.add.f32.msk vm3, v10  }
0xd0: {  	v11 =	vld [tilespmem:s0+$0xB00]  }
0xd1: {  	v13 =	vand.u32 $0xFFFFFF80, v8  }
0xd2: {  	vm1 =	vne.s32 v8, $0x0;
	v8 =	vand.u32 $0x7F, v8;
	v13 =	vadd.s32 v5, v13  }
0xd3: {  	s21 =	simm.s32 $0x30;
	s22 =	simm.s32 $0x180;
	v14 =	vmul.f32 v12, v3;
	v8 =	vor.u32 v8, v13;
	v13 =	vand.u32 $0xFFFFFF80, v7  }
0xd4: {  	s25 =	sand.u32 $0x70, s21;
	s17 =	sand.u32 $0x400, s22;
	vm0 =	vne.s32 v7, $0x0;
	v7 =	vand.u32 $0x7F, v7;
	v13 =	vadd.s32 v4, v13  }
0xd5: {  	s17 =	sor.u32 s25, s17;
	v12 =	vsel vm2, v14, v12;
	v7 =	vor.u32 v7, v13;
	v14 =	vand.u32 $0xFFFFFF80, v11  }
0xd6: {  	v15 =	vld [tilespmem:s17+$0x1B80];
	vm2 =	vne.s32 v11, $0x0;
	v11 =	vand.u32 $0x7F, v11;
	v14 =	vadd.s32 v9, v14  }
0xd7: {  	v13 =	vmul.f32 v6, v3;
	v11 =	vor.u32 v11, v14  }
0xd8: {  	[tilespmem:v8+s12+$0x0] =	vst.idx.add.f32.msk vm1, v12  }
0xd9: {  	v8 =	vsel vm4, v13, v6;
	v6 =	vmov s21;
	v13 =	vld [tilespmem:s16+$0x1880];
	v14 =	vmul.f32 v10, v3  }
0xda: {  	v6 =	vshll.u32 v6, $0x7;
	[tilespmem:v7+s12+$0x0] =	vst.idx.add.f32.msk vm0, v8  }
0xdb: {  	v16 =	vand.u32 $0xFFFFFF80, v15;
	v6 =	vor.u32 v1, v6;
	v7 =	vld [tilespmem:s15+$0x1180];
	v10 =	vsel vm3, v14, v10  }
0xdc: {  	vm3 =	vne.s32 v15, $0x0;
	v14 =	vand.u32 $0x7F, v15;
	v15 =	vadd.s32 v6, v16;
	[tilespmem:v11+s12+$0x0] =	vst.idx.add.f32.msk vm2, v10  }
0xdd: {  	v11 =	vor.u32 v14, v15;
	v14 =	vld [tilespmem:s0+$0xA80]  }
0xde: {  	v15 =	vand.u32 $0xFFFFFF80, v13  }
0xdf: {  	vm6 =	vne.s32 v13, $0x0;
	v13 =	vand.u32 $0x7F, v13;
	v15 =	vadd.s32 v5, v15  }
0xe0: {  	v13 =	vor.u32 v13, v15;
	v15 =	vand.u32 $0xFFFFFF80, v7  }
0xe1: {  	vm4 =	vne.s32 v7, $0x0;
	v7 =	vand.u32 $0x7F, v7;
	v15 =	vadd.s32 v4, v15  }
0xe2: {  	v16 =	vmul.f32 v12, v3;
	v7 =	vor.u32 v7, v15;
	v15 =	vand.u32 $0xFFFFFF80, v14  }
0xe3: {  	[tilespmem:v11+s12+$0x0] =	vst.idx.add.f32.msk vm3, v2;
	vm7 =	vne.s32 v14, $0x0;
	v14 =	vand.u32 $0x7F, v14;
	v15 =	vadd.s32 v9, v15  }
0xe4: {  	v11 =	vsel vm1, v16, v12;
	v12 =	vmul.f32 v8, v3;
	v16 =	vld [tilespmem:s17+$0x1B00];
	v14 =	vor.u32 v14, v15  }
0xe5: {  	[tilespmem:v13+s12+$0x0] =	vst.idx.add.f32.msk vm6, v11  }
0xe6: {  	v8 =	vsel vm0, v12, v8;
	v13 =	vmul.f32 v10, v3;
	v12 =	vld [tilespmem:s16+$0x1800]  }
0xe7: {  	[tilespmem:v7+s12+$0x0] =	vst.idx.add.f32.msk vm4, v8  }
0xe8: {  	v10 =	vsel vm2, v13, v10;
	v7 =	vld [tilespmem:s15+$0x1100]  }
0xe9: {  	v15 =	vand.u32 $0xFFFFFF80, v16;
	[tilespmem:v14+s12+$0x0] =	vst.idx.add.f32.msk vm7, v10  }
0xea: {  	vm1 =	vne.s32 v16, $0x0;
	v13 =	vand.u32 $0x7F, v16;
	v15 =	vadd.s32 v6, v15;
	v14 =	vld [tilespmem:s0+$0xA00]  }
0xeb: {  	v17 =	vnsel vm3, $0x3F800000, v3;
	v13 =	vor.u32 v13, v15;
	v15 =	vand.u32 $0xFFFFFF80, v12  }
0xec: {  	vm5 =	vne.s32 v12, $0x0;
	v12 =	vand.u32 $0x7F, v12;
	v15 =	vadd.s32 v5, v15  }
0xed: {  	v16 =	vmul.f32 v11, v3;
	v12 =	vor.u32 v12, v15;
	v15 =	vand.u32 $0xFFFFFF80, v7  }
0xee: {  	vm2 =	vne.s32 v7, $0x0;
	v7 =	vand.u32 $0x7F, v7;
	v15 =	vadd.s32 v4, v15  }
0xef: {  	v11 =	vsel vm6, v16, v11;
	v7 =	vor.u32 v7, v15;
	v16 =	vand.u32 $0xFFFFFF80, v14  }
0xf0: {  	[tilespmem:v13+s12+$0x0] =	vst.idx.add.f32.msk vm1, v17;
	vm6 =	vne.s32 v14, $0x0;
	v13 =	vand.u32 $0x7F, v14;
	v14 =	vadd.s32 v9, v16  }
0xf1: {  	v15 =	vmul.f32 v8, v3;
	v16 =	vld [tilespmem:s17+$0x1A80];
	v13 =	vor.u32 v13, v14  }
0xf2: {  	[tilespmem:v12+s12+$0x0] =	vst.idx.add.f32.msk vm5, v11  }
0xf3: {  	v8 =	vsel vm4, v15, v8;
	v12 =	vld [tilespmem:s16+$0x1380];
	v14 =	vmul.f32 v10, v3  }
0xf4: {  	[tilespmem:v7+s12+$0x0] =	vst.idx.add.f32.msk vm2, v8  }
0xf5: {  	v7 =	vld [tilespmem:s15+$0x1080];
	v10 =	vsel vm7, v14, v10  }
0xf6: {  	v14 =	vand.u32 $0xFFFFFF80, v16;
	[tilespmem:v13+s12+$0x0] =	vst.idx.add.f32.msk vm6, v10  }
0xf7: {  	vm0 =	vne.s32 v16, $0x0;
	v15 =	vand.u32 $0x7F, v16;
	v13 =	vadd.s32 v6, v14;
	v16 =	vld [tilespmem:s0+$0x980]  }
0xf8: {  	v18 =	vmul.f32 v11, v3;
	v13 =	vor.u32 v15, v13;
	v15 =	vand.u32 $0xFFFFFF80, v12  }
0xf9: {  	vm4 =	vne.s32 v12, $0x0;
	v12 =	vand.u32 $0x7F, v12;
	v15 =	vadd.s32 v5, v15  }
0xfa: {  	v14 =	vmul.f32 v17, v3;
	v12 =	vor.u32 v12, v15;
	v15 =	vand.u32 $0xFFFFFF80, v7  }
0xfb: {  	vm3 =	vne.s32 v7, $0x0;
	v7 =	vand.u32 $0x7F, v7;
	v15 =	vadd.s32 v4, v15  }
0xfc: {  	v14 =	vsel vm1, v14, v17;
	v7 =	vor.u32 v7, v15;
	v15 =	vand.u32 $0xFFFFFF80, v16  }
0xfd: {  	[tilespmem:v13+s12+$0x0] =	vst.idx.add.f32.msk vm0, v14;
	vm1 =	vne.s32 v16, $0x0;
	v13 =	vand.u32 $0x7F, v16;
	v15 =	vadd.s32 v9, v15  }
0xfe: {  	v11 =	vsel vm5, v18, v11;
	v17 =	vmul.f32 v8, v3;
	v16 =	vld [tilespmem:s17+$0x1A00];
	v13 =	vor.u32 v13, v15  }
0xff: {  	[tilespmem:v12+s12+$0x0] =	vst.idx.add.f32.msk vm4, v11  }
0x100: {  	v8 =	vsel vm2, v17, v8;
	v15 =	vmul.f32 v10, v3;
	v12 =	vld [tilespmem:s16+$0x1300]  }
0x101: {  	[tilespmem:v7+s12+$0x0] =	vst.idx.add.f32.msk vm3, v8  }
0x102: {  	v10 =	vsel vm6, v15, v10;
	v7 =	vld [tilespmem:s15+$0x1000]  }
0x103: {  	v15 =	vand.u32 $0xFFFFFF80, v16;
	[tilespmem:v13+s12+$0x0] =	vst.idx.add.f32.msk vm1, v10  }
0x104: {  	vm2 =	vne.s32 v16, $0x0;
	v13 =	vand.u32 $0x7F, v16;
	v15 =	vadd.s32 v6, v15;
	v17 =	vld [tilespmem:s0+$0x900]  }
0x105: {  	v18 =	vmul.f32 v11, v3;
	v13 =	vor.u32 v13, v15;
	v15 =	vand.u32 $0xFFFFFF80, v12  }
0x106: {  	vm8 =	vne.s32 v12, $0x0;
	v12 =	vand.u32 $0x7F, v12;
	v15 =	vadd.s32 v5, v15  }
0x107: {  	v16 =	vmul.f32 v14, v3;
	v12 =	vor.u32 v12, v15;
	v15 =	vand.u32 $0xFFFFFF80, v7  }
0x108: {  	vm7 =	vne.s32 v7, $0x0;
	v7 =	vand.u32 $0x7F, v7;
	v15 =	vadd.s32 v4, v15  }
0x109: {  	v14 =	vsel vm0, v16, v14;
	v7 =	vor.u32 v7, v15;
	v15 =	vand.u32 $0xFFFFFF80, v17  }
0x10a: {  	[tilespmem:v13+s12+$0x0] =	vst.idx.add.f32.msk vm2, v14;
	vm0 =	vne.s32 v17, $0x0;
	v13 =	vand.u32 $0x7F, v17;
	v15 =	vadd.s32 v9, v15  }
0x10b: {  	v11 =	vsel vm4, v18, v11;
	v17 =	vmul.f32 v8, v3;
	v16 =	vld [tilespmem:s17+$0x1980];
	v13 =	vor.u32 v13, v15  }
0x10c: {  	[tilespmem:v12+s12+$0x0] =	vst.idx.add.f32.msk vm8, v11  }
0x10d: {  	v8 =	vsel vm3, v17, v8;
	v15 =	vmul.f32 v10, v3;
	v12 =	vld [tilespmem:s16+$0x1280]  }
0x10e: {  	[tilespmem:v7+s12+$0x0] =	vst.idx.add.f32.msk vm7, v8  }
0x10f: {  	v10 =	vsel vm1, v15, v10;
	v7 =	vld [tilespmem:s15+$0xB80]  }
0x110: {  	v15 =	vand.u32 $0xFFFFFF80, v16;
	[tilespmem:v13+s12+$0x0] =	vst.idx.add.f32.msk vm0, v10  }
0x111: {  	vm1 =	vne.s32 v16, $0x0;
	v13 =	vand.u32 $0x7F, v16;
	v15 =	vadd.s32 v6, v15;
	v17 =	vld [tilespmem:s0+$0x880]  }
0x112: {  	v18 =	vmul.f32 v11, v3;
	v13 =	vor.u32 v13, v15;
	v15 =	vand.u32 $0xFFFFFF80, v12  }
0x113: {  	vm6 =	vne.s32 v12, $0x0;
	v12 =	vand.u32 $0x7F, v12;
	v15 =	vadd.s32 v5, v15  }
0x114: {  	v16 =	vmul.f32 v14, v3;
	v12 =	vor.u32 v12, v15;
	v15 =	vand.u32 $0xFFFFFF80, v7  }
0x115: {  	vm5 =	vne.s32 v7, $0x0;
	v7 =	vand.u32 $0x7F, v7;
	v15 =	vadd.s32 v4, v15  }
0x116: {  	v14 =	vsel vm2, v16, v14;
	v7 =	vor.u32 v7, v15;
	v15 =	vand.u32 $0xFFFFFF80, v17  }
0x117: {  	[tilespmem:v13+s12+$0x0] =	vst.idx.add.f32.msk vm1, v14;
	vm4 =	vne.s32 v17, $0x0;
	v13 =	vand.u32 $0x7F, v17;
	v15 =	vadd.s32 v9, v15  }
0x118: {  	v11 =	vsel vm8, v18, v11;
	v17 =	vmul.f32 v8, v3;
	v16 =	vld [tilespmem:s17+$0x1900];
	v13 =	vor.u32 v13, v15  }
0x119: {  	[tilespmem:v12+s12+$0x0] =	vst.idx.add.f32.msk vm6, v11  }
0x11a: {  	v8 =	vsel vm7, v17, v8;
	v15 =	vmul.f32 v10, v3;
	v12 =	vld [tilespmem:s16+$0x1200]  }
0x11b: {  	[tilespmem:v7+s12+$0x0] =	vst.idx.add.f32.msk vm5, v8  }
0x11c: {  	v10 =	vsel vm0, v15, v10;
	v7 =	vld [tilespmem:s15+$0xB00]  }
0x11d: {  	v18 =	vmul.f32 v11, v3;
	v15 =	vand.u32 $0xFFFFFF80, v16;
	[tilespmem:v13+s12+$0x0] =	vst.idx.add.f32.msk vm4, v10  }
0x11e: {  	vm0 =	vne.s32 v16, $0x0;
	v13 =	vand.u32 $0x7F, v16;
	v15 =	vadd.s32 v6, v15;
	v17 =	vld [tilespmem:s0+$0x800]  }
0x11f: {  	s24 =	simm.s32 $0x40;
	s25 =	simm.s32 $0x200;
	v16 =	vmul.f32 v14, v3;
	v13 =	vor.u32 v13, v15;
	v15 =	vand.u32 $0xFFFFFF80, v12  }
0x120: {  	s26 =	sand.u32 $0x70, s24;
	s20 =	sand.u32 $0x400, s25;
	vm3 =	vne.s32 v12, $0x0;
	v12 =	vand.u32 $0x7F, v12;
	v15 =	vadd.s32 v5, v15  }
0x121: {  	s20 =	sor.u32 s26, s20;
	v14 =	vsel vm1, v16, v14;
	v12 =	vor.u32 v12, v15;
	v15 =	vand.u32 $0xFFFFFF80, v7  }
0x122: {  	v19 =	vld [tilespmem:s20+$0x1B80];
	vm2 =	vne.s32 v7, $0x0;
	v7 =	vand.u32 $0x7F, v7;
	v15 =	vadd.s32 v4, v15  }
0x123: {  	v15 =	vor.u32 v7, v15;
	v7 =	vand.u32 $0xFFFFFF80, v17;
	vm1 =	vne.s32 v17, $0x0  }
0x124: {  	[tilespmem:v13+s12+$0x0] =	vst.idx.add.f32.msk vm0, v14;
	v13 =	vand.u32 $0x7F, v17;
	v17 =	vmul.f32 v8, v3;
	v7 =	vadd.s32 v9, v7  }
0x125: {  	v11 =	vsel vm6, v18, v11;
	v18 =	vmov s24;
	v16 =	vld [tilespmem:s17+$0x1880];
	v13 =	vor.u32 v13, v7  }
0x126: {  	[tilespmem:v12+s12+$0x0] =	vst.idx.add.f32.msk vm3, v11;
	v7 =	vshll.u32 v18, $0x7;
	v8 =	vsel vm5, v17, v8  }
0x127: {  	v17 =	vand.u32 $0xFFFFFF80, v19;
	v18 =	vmul.f32 v10, v3;
	v12 =	vld [tilespmem:s16+$0x1180];
	v7 =	vor.u32 v1, v7  }
0x128: {  	vm5 =	vne.s32 v19, $0x0;
	[tilespmem:v15+s12+$0x0] =	vst.idx.add.f32.msk vm2, v8;
	v15 =	vand.u32 $0x7F, v19;
	v17 =	vadd.s32 v7, v17  }
0x129: {  	s7 =	sor.u32 s23, s23;
	v10 =	vsel vm4, v18, v10;
	v19 =	vld [tilespmem:s15+$0xA80];
	v15 =	vor.u32 v15, v17  }
0x12a: {  	s1 =	sor.u32 $0x380, s7;
	v17 =	vand.u32 $0xFFFFFF80, v16;
	[tilespmem:v13+s12+$0x0] =	vst.idx.add.f32.msk vm1, v10  }
0x12b: {  	vm6 =	vne.s32 v16, $0x0;
	v13 =	vand.u32 $0x7F, v16;
	v16 =	vadd.s32 v6, v17;
	v18 =	vld [tilespmem:s1+$0x0]  }
0x12c: {  	v20 =	vmul.f32 v11, v3;
	v13 =	vor.u32 v13, v16;
	v16 =	vand.u32 $0xFFFFFF80, v12  }
0x12d: {  	vm8 =	vne.s32 v12, $0x0;
	v12 =	vand.u32 $0x7F, v12;
	v16 =	vadd.s32 v5, v16  }
0x12e: {  	v17 =	vmul.f32 v14, v3;
	v12 =	vor.u32 v12, v16;
	v16 =	vand.u32 $0xFFFFFF80, v19;
	[tilespmem:v15+s12+$0x0] =	vst.idx.add.f32.msk vm5, v2  }
0x12f: {  	vm7 =	vne.s32 v19, $0x0;
	v15 =	vand.u32 $0x7F, v19;
	v16 =	vadd.s32 v4, v16;
	v19 =	vld [tilespmem:s20+$0x1B00]  }
0x130: {  	v14 =	vsel vm0, v17, v14;
	v15 =	vor.u32 v15, v16;
	v16 =	vand.u32 $0xFFFFFF80, v18  }
0x131: {  	[tilespmem:v13+s12+$0x0] =	vst.idx.add.f32.msk vm6, v14;
	vm0 =	vne.s32 v18, $0x0;
	v13 =	vand.u32 $0x7F, v18;
	v16 =	vadd.s32 v9, v16  }
0x132: {  	v11 =	vsel vm3, v20, v11;
	v18 =	vmul.f32 v8, v3;
	v17 =	vld [tilespmem:s17+$0x1800];
	v13 =	vor.u32 v13, v16  }
0x133: {  	[tilespmem:v12+s12+$0x0] =	vst.idx.add.f32.msk vm8, v11  }
0x134: {  	v20 =	vmul.f32 v10, v3;
	v8 =	vsel vm2, v18, v8;
	v12 =	vld [tilespmem:s16+$0x1100];
	v18 =	vand.u32 $0xFFFFFF80, v19  }
0x135: {  	vm2 =	vne.s32 v19, $0x0;
	[tilespmem:v15+s12+$0x0] =	vst.idx.add.f32.msk vm7, v8;
	v15 =	vand.u32 $0x7F, v19;
	v18 =	vadd.s32 v7, v18  }
0x136: {  	v10 =	vsel vm1, v20, v10;
	v19 =	vld [tilespmem:s15+$0xA00];
	v15 =	vor.u32 v15, v18  }
0x137: {  	v16 =	vnsel vm5, $0x3F800000, v3;
	v18 =	vand.u32 $0xFFFFFF80, v17;
	[tilespmem:v13+s12+$0x0] =	vst.idx.add.f32.msk vm0, v10  }
0x138: {  	vm1 =	vne.s32 v17, $0x0;
	v13 =	vand.u32 $0x7F, v17;
	v17 =	vadd.s32 v6, v18;
	v20 =	vld [tilespmem:s0+$0x300]  }
0x139: {  	v18 =	vmul.f32 v14, v3;
	v13 =	vor.u32 v13, v17;
	v17 =	vand.u32 $0xFFFFFF80, v12  }
0x13a: {  	vm4 =	vne.s32 v12, $0x0;
	v12 =	vand.u32 $0x7F, v12;
	v17 =	vadd.s32 v5, v17  }
0x13b: {  	v14 =	vsel vm6, v18, v14;
	v12 =	vor.u32 v12, v17;
	v17 =	vand.u32 $0xFFFFFF80, v19;
	[tilespmem:v15+s12+$0x0] =	vst.idx.add.f32.msk vm2, v16  }
0x13c: {  	vm5 =	vne.s32 v19, $0x0;
	v15 =	vand.u32 $0x7F, v19;
	v17 =	vadd.s32 v4, v17;
	v18 =	vld [tilespmem:s20+$0x1A80]  }
0x13d: {  	v21 =	vmul.f32 v11, v3;
	v15 =	vor.u32 v15, v17;
	v17 =	vand.u32 $0xFFFFFF80, v20  }
0x13e: {  	[tilespmem:v13+s12+$0x0] =	vst.idx.add.f32.msk vm1, v14;
	vm6 =	vne.s32 v20, $0x0;
	v13 =	vand.u32 $0x7F, v20;
	v20 =	vmul.f32 v8, v3  }
0x13f: {  	v11 =	vsel vm8, v21, v11;
	v17 =	vadd.s32 v9, v17;
	v19 =	vld [tilespmem:s17+$0x1380]  }
0x140: {  	v13 =	vor.u32 v13, v17;
	[tilespmem:v12+s12+$0x0] =	vst.idx.add.f32.msk vm4, v11;
	v8 =	vsel vm7, v20, v8  }
0x141: {  	v17 =	vmul.f32 v16, v3;
	v20 =	vmul.f32 v10, v3;
	v12 =	vld [tilespmem:s16+$0x1080];
	v21 =	vand.u32 $0xFFFFFF80, v18  }
0x142: {  	vm8 =	vne.s32 v18, $0x0;
	[tilespmem:v15+s12+$0x0] =	vst.idx.add.f32.msk vm5, v8;
	v15 =	vand.u32 $0x7F, v18;
	v18 =	vadd.s32 v7, v21  }
0x143: {  	v10 =	vsel vm0, v20, v10;
	v16 =	vsel vm2, v17, v16;
	v20 =	vmul.f32 v11, v3;
	v21 =	vld [tilespmem:s15+$0x980]  }
0x144: {  	v15 =	vor.u32 v15, v18;
	v18 =	vand.u32 $0xFFFFFF80, v19;
	vm3 =	vne.s32 v19, $0x0  }
0x145: {  	v11 =	vsel vm4, v20, v11;
	[tilespmem:v13+s12+$0x0] =	vst.idx.add.f32.msk vm6, v10;
	v13 =	vand.u32 $0x7F, v19;
	v18 =	vadd.s32 v6, v18  }
0x146: {  	v20 =	vmul.f32 v8, v3;
	v17 =	vld [tilespmem:s0+$0x280];
	v13 =	vor.u32 v13, v18;
	v18 =	vand.u32 $0xFFFFFF80, v12  }
0x147: {  	vm2 =	vne.s32 v12, $0x0;
	v12 =	vand.u32 $0x7F, v12;
	v18 =	vadd.s32 v5, v18  }
0x148: {  	v19 =	vmul.f32 v14, v3;
	v12 =	vor.u32 v12, v18;
	v18 =	vand.u32 $0xFFFFFF80, v21  }
0x149: {  	[tilespmem:v15+s12+$0x0] =	vst.idx.add.f32.msk vm8, v16;
	vm0 =	vne.s32 v21, $0x0;
	v15 =	vand.u32 $0x7F, v21;
	v18 =	vadd.s32 v4, v18  }
0x14a: {  	v14 =	vsel vm1, v19, v14;
	v19 =	vld [tilespmem:s20+$0x1A00];
	v15 =	vor.u32 v15, v18  }
0x14b: {  	v20 =	vsel vm5, v20, v8;
	v8 =	vmul.f32 v10, v3;
	v18 =	vand.u32 $0xFFFFFF80, v17;
	[tilespmem:v13+s12+$0x0] =	vst.idx.add.f32.msk vm3, v14  }
0x14c: {  	vm1 =	vne.s32 v17, $0x0;
	v13 =	vand.u32 $0x7F, v17;
	v17 =	vadd.s32 v9, v18;
	v18 =	vld [tilespmem:s17+$0x1300]  }
0x14d: {  	v21 =	vmul.f32 v16, v3;
	v13 =	vor.u32 v13, v17;
	[tilespmem:v12+s12+$0x0] =	vst.idx.add.f32.msk vm2, v11  }
0x14e: {  	v17 =	vld [tilespmem:s16+$0x1000]  }
0x14f: {  	v10 =	vsel vm6, v8, v10;
	v16 =	vsel vm8, v21, v16;
	v22 =	vand.u32 $0xFFFFFF80, v19;
	[tilespmem:v15+s12+$0x0] =	vst.idx.add.f32.msk vm0, v20  }
0x150: {  	vm7 =	vne.s32 v19, $0x0;
	v15 =	vand.u32 $0x7F, v19;
	v19 =	vadd.s32 v7, v22;
	v22 =	vld [tilespmem:s15+$0x900]  }
0x151: {  	v23 =	vmul.f32 v16, v3;
	v8 =	vor.u32 v15, v19;
	v15 =	vand.u32 $0xFFFFFF80, v18  }
0x152: {  	s28 =	simm.s32 $0x280;
	s26 =	simm.s32 $0x50;
	vm5 =	vne.s32 v18, $0x0;
	[tilespmem:v13+s12+$0x0] =	vst.idx.add.f32.msk vm1, v10;
	v13 =	vand.u32 $0x7F, v18;
	v15 =	vadd.s32 v6, v15  }
0x153: {  	s7 =	sand.u32 $0x400, s28;
	s23 =	sand.u32 $0x70, s26;
	v19 =	vmul.f32 v14, v3;
	v18 =	vld [tilespmem:s0+$0x200];
	v13 =	vor.u32 v13, v15;
	v15 =	vand.u32 $0xFFFFFF80, v17  }
0x154: {  	s23 =	sor.u32 s23, s7;
	vm6 =	vne.s32 v17, $0x0;
	v17 =	vand.u32 $0x7F, v17;
	v15 =	vadd.s32 v5, v15  }
0x155: {  	v21 =	vld [tilespmem:s23+$0x1B80];
	v15 =	vor.u32 v17, v15;
	v17 =	vand.u32 $0xFFFFFF80, v22;
	vm4 =	vne.s32 v22, $0x0  }
0x156: {  	[tilespmem:v8+s12+$0x0] =	vst.idx.add.f32.msk vm7, v16;
	v8 =	vand.u32 $0x7F, v22;
	v22 =	vmul.f32 v11, v3;
	v17 =	vadd.s32 v4, v17  }
0x157: {  	v12 =	vmov s26;
	v14 =	vsel vm3, v19, v14;
	v19 =	vld [tilespmem:s20+$0x1980];
	v17 =	vor.u32 v8, v17  }
0x158: {  	v11 =	vsel vm2, v22, v11;
	v22 =	vmul.f32 v20, v3;
	v8 =	vand.u32 $0xFFFFFF80, v18;
	[tilespmem:v13+s12+$0x0] =	vst.idx.add.f32.msk vm5, v14  }
0x159: {  	vm3 =	vne.s32 v18, $0x0;
	v13 =	vand.u32 $0x7F, v18;
	v8 =	vadd.s32 v9, v8;
	v18 =	vld [tilespmem:s17+$0x1280]  }
0x15a: {  	v12 =	vshll.u32 v12, $0x7;
	vm10 =	vne.s32 v21, $0x0;
	v13 =	vor.u32 v13, v8;
	[tilespmem:v15+s12+$0x0] =	vst.idx.add.f32.msk vm6, v11  }
0x15b: {  	v16 =	vsel vm7, v23, v16;
	v23 =	vmul.f32 v11, v3;
	v20 =	vsel vm0, v22, v20;
	v15 =	vld [tilespmem:s16+$0xB80]  }
0x15c: {  	v22 =	vmul.f32 v10, v3;
	v8 =	vor.u32 v1, v12;
	v24 =	vand.u32 $0xFFFFFF80, v19;
	[tilespmem:v17+s12+$0x0] =	vst.idx.add.f32.msk vm4, v20  }
0x15d: {  	vm9 =	vne.s32 v19, $0x0;
	v17 =	vand.u32 $0x7F, v19;
	v19 =	vadd.s32 v7, v24;
	v41 =	vld [tilespmem:s15+$0x880]  }
0x15e: {  	v10 =	vsel vm1, v22, v10;
	v17 =	vor.u32 v17, v19;
	v19 =	vand.u32 $0xFFFFFF80, v18  }
0x15f: {  	vm8 =	vne.s32 v18, $0x0;
	[tilespmem:v13+s12+$0x0] =	vst.idx.add.f32.msk vm3, v10;
	v13 =	vand.u32 $0x7F, v18;
	v18 =	vadd.s32 v6, v19  }
0x160: {  	v12 =	vand.u32 $0xFFFFFF80, v21;
	v19 =	vld [tilespmem:s0+$0x180];
	v13 =	vor.u32 v13, v18;
	v18 =	vand.u32 $0xFFFFFF80, v15  }
0x161: {  	vm1 =	vne.s32 v15, $0x0;
	v15 =	vand.u32 $0x7F, v15;
	v18 =	vadd.s32 v5, v18  }
0x162: {  	v22 =	vmul.f32 v14, v3;
	v15 =	vor.u32 v15, v18;
	v18 =	vand.u32 $0xFFFFFF80, v41  }
0x163: {  	[tilespmem:v17+s12+$0x0] =	vst.idx.add.f32.msk vm9, v16;
	vm2 =	vne.s32 v41, $0x0;
	v17 =	vand.u32 $0x7F, v41;
	v18 =	vadd.s32 v4, v18  }
0x164: {  	v11 =	vsel vm6, v23, v11;
	v14 =	vsel vm5, v22, v14;
	v22 =	vld [tilespmem:s20+$0x1900];
	v17 =	vor.u32 v17, v18  }
0x165: {  	v23 =	vmul.f32 v20, v3;
	v12 =	vadd.s32 v8, v12;
	v18 =	vand.u32 $0xFFFFFF80, v19;
	[tilespmem:v13+s12+$0x0] =	vst.idx.add.f32.msk vm8, v14  }
0x166: {  	vm0 =	vne.s32 v19, $0x0;
	v13 =	vand.u32 $0x7F, v19;
	v18 =	vadd.s32 v9, v18;
	v19 =	vld [tilespmem:s17+$0x1200]  }
0x167: {  	v13 =	vor.u32 v13, v18;
	v18 =	vand.u32 $0x7F, v21;
	[tilespmem:v15+s12+$0x0] =	vst.idx.add.f32.msk vm1, v11;
	v21 =	vmul.f32 v16, v3  }
0x168: {  	v12 =	vor.u32 v18, v12;
	v15 =	vld [tilespmem:s16+$0xB00];
	v18 =	vsel vm4, v23, v20;
	v20 =	vmul.f32 v10, v3  }
0x169: {  	v23 =	vand.u32 $0xFFFFFF80, v22;
	vm6 =	vne.s32 v22, $0x0;
	[tilespmem:v17+s12+$0x0] =	vst.idx.add.f32.msk vm2, v18;
	v17 =	vand.u32 $0x7F, v22  }
0x16a: {  	v22 =	vadd.s32 v7, v23;
	v16 =	vsel vm9, v21, v16;
	v10 =	vsel vm3, v20, v10  }
0x16b: {  	v23 =	vld [tilespmem:s15+$0x800];
	v17 =	vor.u32 v17, v22;
	v22 =	vmul.f32 v11, v3;
	v20 =	vand.u32 $0xFFFFFF80, v19  }
0x16c: {  	vm7 =	vne.s32 v19, $0x0;
	[tilespmem:v13+s12+$0x0] =	vst.idx.add.f32.msk vm0, v10;
	v13 =	vand.u32 $0x7F, v19;
	v19 =	vadd.s32 v6, v20  }
0x16d: {  	v42 =	vmul.f32 v16, v3;
	v20 =	vld [tilespmem:s0+$0x100];
	v13 =	vor.u32 v13, v19  }
0x16e: {  	v11 =	vsel vm1, v22, v11;
	v19 =	vand.u32 $0xFFFFFF80, v15;
	vm5 =	vne.s32 v15, $0x0  }
0x16f: {  	[tilespmem:v12+s12+$0x0] =	vst.idx.add.f32.msk vm10, v2;
	v12 =	vand.u32 $0x7F, v15;
	v15 =	vadd.s32 v5, v19;
	v19 =	vmul.f32 v14, v3  }
0x170: {  	v12 =	vor.u32 v12, v15;
	v15 =	vand.u32 $0xFFFFFF80, v23;
	[tilespmem:v17+s12+$0x0] =	vst.idx.add.f32.msk vm6, v16;
	vm3 =	vne.s32 v23, $0x0  }
0x171: {  	v17 =	vand.u32 $0x7F, v23;
	v15 =	vadd.s32 v4, v15;
	v14 =	vsel vm8, v19, v14;
	v19 =	vld [tilespmem:s20+$0x1880]  }
0x172: {  	v22 =	vmul.f32 v18, v3;
	v15 =	vor.u32 v17, v15;
	v17 =	vand.u32 $0xFFFFFF80, v20;
	[tilespmem:v13+s12+$0x0] =	vst.idx.add.f32.msk vm7, v14  }
0x173: {  	vm4 =	vne.s32 v20, $0x0;
	v13 =	vand.u32 $0x7F, v20;
	v17 =	vadd.s32 v9, v17;
	v20 =	vld [tilespmem:s17+$0x1180]  }
0x174: {  	v21 =	vld [tilespmem:s23+$0x1B00];
	v18 =	vsel vm2, v22, v18;
	v22 =	vmul.f32 v10, v3;
	v13 =	vor.u32 v13, v17  }
0x175: {  	v44 =	vmul.f32 v11, v3;
	v23 =	vnsel vm10, $0x3F800000, v3;
	[tilespmem:v12+s12+$0x0] =	vst.idx.add.f32.msk vm5, v11  }
0x176: {  	s2 =	sor.u32 s29, s2;
	v16 =	vsel vm6, v42, v16;
	v10 =	vsel vm0, v22, v10;
	v17 =	vld [tilespmem:s16+$0xA80];
	v25 =	vand.u32 $0xFFFFFF80, v19  }
0x177: {  	s1 =	sor.u32 $0x380, s2;
	vm15 =	vne.s32 v19, $0x0;
	[tilespmem:v15+s12+$0x0] =	vst.idx.add.f32.msk vm3, v18;
	v15 =	vand.u32 $0x7F, v19;
	v19 =	vadd.s32 v7, v25  }
0x178: {  	v22 =	vmul.f32 v14, v3;
	v43 =	vld [tilespmem:s1+$0x0];
	v15 =	vor.u32 v15, v19;
	v19 =	vand.u32 $0xFFFFFF80, v20  }
0x179: {  	vm8 =	vne.s32 v20, $0x0;
	[tilespmem:v13+s12+$0x0] =	vst.idx.add.f32.msk vm4, v10;
	v13 =	vand.u32 $0x7F, v20;
	v19 =	vadd.s32 v6, v19  }
0x17a: {  	v45 =	vmul.f32 v18, v3;
	v46 =	vmul.f32 v16, v3;
	v20 =	vld [tilespmem:s0+$0x80];
	v13 =	vor.u32 v13, v19  }
0x17b: {  	vm1 =	vne.s32 v21, $0x0;
	v14 =	vsel vm7, v22, v14;
	v19 =	vand.u32 $0xFFFFFF80, v17  }
0x17c: {  	vm6 =	vne.s32 v17, $0x0;
	v17 =	vand.u32 $0x7F, v17;
	v19 =	vadd.s32 v5, v19  }
0x17d: {  	v12 =	vand.u32 $0xFFFFFF80, v21;
	v17 =	vor.u32 v17, v19;
	v19 =	vand.u32 $0xFFFFFF80, v43;
	[tilespmem:v15+s12+$0x0] =	vst.idx.add.f32.msk vm15, v16  }
0x17e: {  	vm2 =	vne.s32 v43, $0x0;
	v15 =	vand.u32 $0x7F, v43;
	v19 =	vadd.s32 v4, v19;
	v22 =	vld [tilespmem:s20+$0x1800]  }
0x17f: {  	v11 =	vsel vm5, v44, v11;
	v15 =	vor.u32 v15, v19;
	v19 =	vand.u32 $0xFFFFFF80, v20;
	[tilespmem:v13+s12+$0x0] =	vst.idx.add.f32.msk vm8, v14  }
0x180: {  	vm0 =	vne.s32 v20, $0x0;
	v13 =	vand.u32 $0x7F, v20;
	v19 =	vadd.s32 v9, v19;
	v20 =	vld [tilespmem:s17+$0x1100]  }
0x181: {  	v12 =	vadd.s32 v8, v12;
	v49 =	vmul.f32 v11, v3;
	v13 =	vor.u32 v13, v19  }
0x182: {  	v18 =	vsel vm3, v45, v18;
	v19 =	vand.u32 $0x7F, v21;
	[tilespmem:v17+s12+$0x0] =	vst.idx.add.f32.msk vm6, v11;
	v17 =	vmul.f32 v23, v3  }
0x183: {  	v21 =	vmul.f32 v10, v3;
	v12 =	vor.u32 v19, v12;
	v19 =	vld [tilespmem:s16+$0xA00];
	v47 =	vand.u32 $0xFFFFFF80, v22  }
0x184: {  	vm11 =	vne.s32 v22, $0x0;
	[tilespmem:v15+s12+$0x0] =	vst.idx.add.f32.msk vm2, v18;
	v15 =	vand.u32 $0x7F, v22;
	v22 =	vadd.s32 v7, v47  }
0x185: {  	v10 =	vsel vm4, v21, v10;
	v48 =	vld [tilespmem:s15+$0x300];
	v15 =	vor.u32 v15, v22;
	v21 =	vand.u32 $0xFFFFFF80, v20  }
0x186: {  	vm12 =	vne.s32 v20, $0x0;
	[tilespmem:v13+s12+$0x0] =	vst.idx.add.f32.msk vm0, v10;
	v13 =	vand.u32 $0x7F, v20;
	v20 =	vadd.s32 v6, v21  }
0x187: {  	v16 =	vsel vm15, v46, v16;
	v17 =	vsel vm1, v17, v23;
	v13 =	vor.u32 v13, v20  }
0x188: {  	v20 =	vand.u32 $0xFFFFFF80, v19;
	[tilespmem:v12+s12+$0x0] =	vst.idx.add.f32.msk vm1, v23;
	vm5 =	vne.s32 v19, $0x0;
	v12 =	vand.u32 $0x7F, v19  }
0x189: {  	v21 =	vld [tilespmem:s0+$0x0];
	v23 =	vmul.f32 v18, v3;
	v19 =	vadd.s32 v5, v20;
	v20 =	vmul.f32 v14, v3  }
0x18a: {  	v22 =	vld [tilespmem:s23+$0x1A80];
	v12 =	vor.u32 v12, v19;
	v19 =	vand.u32 $0xFFFFFF80, v48;
	vm3 =	vne.s32 v48, $0x0  }
0x18b: {  	[tilespmem:v15+s12+$0x0] =	vst.idx.add.f32.msk vm11, v16;
	v15 =	vand.u32 $0x7F, v48;
	v18 =	vsel vm2, v23, v18;
	v19 =	vadd.s32 v4, v19  }
0x18c: {  	v23 =	vmul.f32 v16, v3;
	v14 =	vsel vm8, v20, v14;
	v20 =	vld [tilespmem:s20+$0x1380];
	v15 =	vor.u32 v15, v19  }
0x18d: {  	[tilespmem:v13+s12+$0x0] =	vst.idx.add.f32.msk vm12, v14  }
0x18e: {  	v11 =	vsel vm6, v49, v11;
	v16 =	vsel vm11, v23, v16;
	v13 =	vld [tilespmem:s17+$0x1080]  }
0x18f: {  	v23 =	vmul.f32 v14, v3;
	v19 =	vand.u32 $0xFFFFFF80, v21;
	v50 =	vand.u32 $0xFFFFFF80, v22;
	[tilespmem:v12+s12+$0x0] =	vst.idx.add.f32.msk vm5, v11  }
0x190: {  	vm8 =	vne.s32 v22, $0x0;
	v12 =	vand.u32 $0x7F, v22;
	v22 =	vadd.s32 v8, v50;
	v51 =	vld [tilespmem:s16+$0x980]  }
0x191: {  	v14 =	vsel vm12, v23, v14;
	v12 =	vor.u32 v12, v22;
	v22 =	vand.u32 $0xFFFFFF80, v20;
	[tilespmem:v15+s12+$0x0] =	vst.idx.add.f32.msk vm3, v18  }
0x192: {  	vm6 =	vne.s32 v20, $0x0;
	v15 =	vand.u32 $0x7F, v20;
	v20 =	vadd.s32 v7, v22;
	v22 =	vld [tilespmem:s15+$0x280]  }
0x193: {  	v9 =	vadd.s32 v9, v19;
	v15 =	vor.u32 v15, v20;
	v20 =	vand.u32 $0xFFFFFF80, v13  }
0x194: {  	vm7 =	vne.s32 v13, $0x0;
	v13 =	vand.u32 $0x7F, v13;
	v20 =	vadd.s32 v6, v20  }
0x195: {  	v23 =	vmul.f32 v17, v3;
	v13 =	vor.u32 v13, v20;
	v20 =	vand.u32 $0xFFFFFF80, v51  }
0x196: {  	[tilespmem:v12+s12+$0x0] =	vst.idx.add.f32.msk vm8, v17;
	vm1 =	vne.s32 v51, $0x0;
	v12 =	vand.u32 $0x7F, v51;
	v20 =	vadd.s32 v5, v20  }
0x197: {  	v17 =	vsel vm8, v23, v17;
	v52 =	vld [tilespmem:s23+$0x1A00];
	v12 =	vor.u32 v12, v20;
	v20 =	vand.u32 $0xFFFFFF80, v22  }
0x198: {  	[tilespmem:v15+s12+$0x0] =	vst.idx.add.f32.msk vm6, v16;
	vm2 =	vne.s32 v22, $0x0;
	v15 =	vand.u32 $0x7F, v22;
	v20 =	vadd.s32 v4, v20  }
0x199: {  	v23 =	vmul.f32 v16, v3;
	v22 =	vmul.f32 v11, v3;
	v19 =	vld [tilespmem:s20+$0x1300];
	v15 =	vor.u32 v15, v20  }
0x19a: {  	vm4 =	vne.s32 v21, $0x0;
	v21 =	vand.u32 $0x7F, v21;
	v56 =	vmul.f32 v14, v3;
	[tilespmem:v13+s12+$0x0] =	vst.idx.add.f32.msk vm7, v14  }
0x19b: {  	v16 =	vsel vm6, v23, v16;
	v11 =	vsel vm5, v22, v11;
	v22 =	vmul.f32 v18, v3;
	v13 =	vld [tilespmem:s17+$0x1000]  }
0x19c: {  	v20 =	vor.u32 v21, v9;
	vm13 =	vne.s32 v52, $0x0;
	v53 =	vand.u32 $0xFFFFFF80, v52;
	[tilespmem:v12+s12+$0x0] =	vst.idx.add.f32.msk vm1, v11  }
0x19d: {  	v18 =	vsel vm3, v22, v18;
	v12 =	vand.u32 $0x7F, v52;
	v54 =	vadd.s32 v8, v53;
	v55 =	vld [tilespmem:s16+$0x900]  }
0x19e: {  	v9 =	vmul.f32 v10, v3;
	v12 =	vor.u32 v12, v54;
	v22 =	vand.u32 $0xFFFFFF80, v19;
	[tilespmem:v15+s12+$0x0] =	vst.idx.add.f32.msk vm2, v18  }
0x19f: {  	s2 =	simm.s32 $0x300;
	s0 =	simm.s32 $0x60;
	vm14 =	vne.s32 v19, $0x0;
	v15 =	vand.u32 $0x7F, v19;
	v19 =	vadd.s32 v7, v22;
	v22 =	vld [tilespmem:s15+$0x200]  }
0x1a0: {  	s29 =	sand.u32 $0x400, s2;
	s7 =	sand.u32 $0x70, s0;
	v21 =	vmov s0;
	v15 =	vor.u32 v15, v19;
	v19 =	vand.u32 $0xFFFFFF80, v13  }
0x1a1: {  	s31 =	sor.u32 s7, s29;
	vm8 =	vne.s32 v13, $0x0;
	v13 =	vand.u32 $0x7F, v13;
	v19 =	vadd.s32 v6, v19  }
0x1a2: {  	v23 =	vld [tilespmem:s31+$0x1B80];
	v14 =	vsel vm7, v56, v14;
	v13 =	vor.u32 v13, v19;
	v19 =	vand.u32 $0xFFFFFF80, v55  }
0x1a3: {  	[tilespmem:v12+s12+$0x0] =	vst.idx.add.f32.msk vm13, v17;
	vm6 =	vne.s32 v55, $0x0;
	v12 =	vand.u32 $0x7F, v55;
	v19 =	vadd.s32 v5, v19  }
0x1a4: {  	v21 =	vshll.u32 v21, $0x7;
	v57 =	vld [tilespmem:s23+$0x1980];
	v12 =	vor.u32 v12, v19;
	v19 =	vand.u32 $0xFFFFFF80, v22  }
0x1a5: {  	[tilespmem:v15+s12+$0x0] =	vst.idx.add.f32.msk vm14, v16;
	vm7 =	vne.s32 v22, $0x0;
	v15 =	vand.u32 $0x7F, v22;
	v19 =	vadd.s32 v4, v19  }
0x1a6: {  	v58 =	vmul.f32 v11, v3;
	v10 =	vsel vm0, v9, v10;
	v22 =	vld [tilespmem:s20+$0x1280];
	v15 =	vor.u32 v15, v19  }
0x1a7: {  	v9 =	vor.u32 v1, v21;
	v21 =	vmul.f32 v18, v3;
	[tilespmem:v13+s12+$0x0] =	vst.idx.add.f32.msk vm8, v14  }
0x1a8: {  	v59 =	vmul.f32 v17, v3;
	v60 =	vmul.f32 v16, v3;
	v11 =	vsel vm1, v58, v11;
	v19 =	vld [tilespmem:s17+$0xB80]  }
0x1a9: {  	v61 =	vmul.f32 v14, v3;
	v21 =	vsel vm2, v21, v18;
	[tilespmem:v12+s12+$0x0] =	vst.idx.add.f32.msk vm6, v11;
	v12 =	vand.u32 $0xFFFFFF80, v57  }
0x1aa: {  	vm15 =	vne.s32 v57, $0x0;
	v25 =	vand.u32 $0x7F, v57;
	v12 =	vadd.s32 v8, v12;
	v18 =	vld [tilespmem:s16+$0x880]  }
0x1ab: {  	v24 =	vsel vm13, v59, v17;
	v17 =	vand.u32 $0xFFFFFF80, v22;
	v12 =	vor.u32 v25, v12;
	[tilespmem:v15+s12+$0x0] =	vst.idx.add.f32.msk vm7, v21  }
0x1ac: {  	vm3 =	vne.s32 v22, $0x0;
	v15 =	vand.u32 $0x7F, v22;
	v17 =	vadd.s32 v7, v17;
	v22 =	vld [tilespmem:s15+$0x180]  }
0x1ad: {  	vm5 =	vne.s32 v23, $0x0;
	v15 =	vor.u32 v15, v17;
	v17 =	vand.u32 $0xFFFFFF80, v19  }
0x1ae: {  	vm2 =	vne.s32 v19, $0x0;
	v19 =	vand.u32 $0x7F, v19;
	v26 =	vadd.s32 v6, v17  }
0x1af: {  	[tilespmem:v20+s12+$0x0] =	vst.idx.add.f32.msk vm4, v10;
	v17 =	vsel vm14, v60, v16;
	v16 =	vor.u32 v19, v26;
	v19 =	vand.u32 $0xFFFFFF80, v18  }
0x1b0: {  	vm1 =	vne.s32 v18, $0x0;
	[tilespmem:v12+s12+$0x0] =	vst.idx.add.f32.msk vm15, v24;
	v12 =	vand.u32 $0x7F, v18;
	v19 =	vadd.s32 v5, v19  }
0x1b1: {  	v13 =	vand.u32 $0xFFFFFF80, v23;
	v62 =	vld [tilespmem:s23+$0x1900];
	v19 =	vor.u32 v12, v19;
	v12 =	vand.u32 $0xFFFFFF80, v22  }
0x1b2: {  	[tilespmem:v15+s12+$0x0] =	vst.idx.add.f32.msk vm3, v17;
	v15 =	vand.u32 $0x7F, v22;
	vm0 =	vne.s32 v22, $0x0;
	v12 =	vadd.s32 v4, v12  }
0x1b3: {  	v14 =	vsel vm8, v61, v14;
	v22 =	vmul.f32 v11, v3;
	v63 =	vld [tilespmem:s20+$0x1200];
	v27 =	vor.u32 v15, v12  }
0x1b4: {  	v13 =	vadd.s32 v9, v13;
	v18 =	vnsel vm5, $0x3F800000, v3;
	v12 =	vand.u32 $0x7F, v23;
	[tilespmem:v16+s12+$0x0] =	vst.idx.add.f32.msk vm2, v14  }
0x1b5: {  	v23 =	vor.u32 v12, v13;
	v12 =	vsel vm6, v22, v11;
	v11 =	vmul.f32 v21, v3;
	v15 =	vld [tilespmem:s17+$0xB00]  }
0x1b6: {  	v16 =	vmul.f32 v24, v3;
	vm6 =	vne.s32 v62, $0x0;
	v10 =	vand.u32 $0xFFFFFF80, v62;
	[tilespmem:v19+s12+$0x0] =	vst.idx.add.f32.msk vm1, v12  }
0x1b7: {  	v19 =	vand.u32 $0x7F, v62;
	v20 =	vadd.s32 v8, v10;
	v10 =	vsel vm7, v11, v21;
	v13 =	vld [tilespmem:s16+$0x800]  }
0x1b8: {  	v21 =	vsel vm15, v16, v24;
	v11 =	vand.u32 $0xFFFFFF80, v63;
	v22 =	vor.u32 v19, v20;
	[tilespmem:v27+s12+$0x0] =	vst.idx.add.f32.msk vm0, v10  }
0x1b9: {  	s30 =	smov.u32 s6;
	s1 =	simm.s32 $0x70;
	s29 =	simm.s32 $0x2000;
	vm4 =	vne.s32 v63, $0x0;
	v16 =	vand.u32 $0x7F, v63;
	v19 =	vadd.s32 v7, v11;
	v11 =	vld [tilespmem:s15+$0x100]  }
0x1ba: {  	[hbm4b:s6+s3] =	stream.linear.scatter [tilespmem:s29], [sflag:$0x2], $0x800, $0x38;
	v20 =	vmul.f32 v17, v3;
	v19 =	vor.u32 v16, v19;
	v16 =	vand.u32 $0xFFFFFF80, v15;
	[tilespmem:$0xA080] =	vst v63  }
.LBB2_4:
0x1bb: {  	p0 =	sne.s32 s1, $0xF0;
	[tilespmem:v23+s12+$0x0] =	vst.idx.add.f32.msk vm5, v2;
	vm8 =	vne.s32 v15, $0x0;
	v15 =	vand.u32 $0x7F, v15;
	v16 =	vadd.s32 v6, v16  }
0x1bc: {  	v23 =	vld [tilespmem:s31+$0x1B00];
	v17 =	vsel vm3, v20, v17;
	v15 =	vor.u32 v15, v16;
	v16 =	vand.u32 $0xFFFFFF80, v13  }
0x1bd: {  	vm7 =	vne.s32 v13, $0x0;
	v13 =	vand.u32 $0x7F, v13;
	[tilespmem:v22+s12+$0x0] =	vst.idx.add.f32.msk vm6, v21;
	v16 =	vadd.s32 v5, v16  }
0x1be: {  	v22 =	vmul.f32 v14, v3;
	v20 =	vld [tilespmem:s23+$0x1880];
	v13 =	vor.u32 v13, v16;
	v16 =	vand.u32 $0xFFFFFF80, v11  }
0x1bf: {  	vm5 =	vne.s32 v11, $0x0;
	v11 =	vand.u32 $0x7F, v11;
	[tilespmem:v19+s12+$0x0] =	vst.idx.add.f32.msk vm4, v17;
	v16 =	vadd.s32 v4, v16  }
0x1c0: {  	v14 =	vsel vm2, v22, v14;
	v22 =	vmul.f32 v12, v3;
	v19 =	vld [tilespmem:s20+$0x1180];
	v11 =	vor.u32 v11, v16  }
0x1c1: {  	v16 =	vmul.f32 v18, v3;
	vm2 =	vne.s32 v23, $0x0;
	[tilespmem:v15+s12+$0x0] =	vst.idx.add.f32.msk vm8, v14  }
0x1c2: {  	s19 =	sor.u32 s18, s19;
	s18 =	smov.u32 s22;
	s22 =	smov.u32 s25;
	v15 =	vand.u32 $0xFFFFFF80, v23;
	v12 =	vsel vm1, v22, v12;
	v22 =	vmul.f32 v10, v3;
	v24 =	vld [tilespmem:s17+$0xA80]  }
0x1c3: {  	v25 =	vmul.f32 v21, v3;
	s25 =	smov.u32 s28;
	s28 =	smov.u32 s2;
	s19 =	sor.u32 $0x380, s19;
	vm10 =	vne.s32 v20, $0x0;
	v26 =	vand.u32 $0xFFFFFF80, v20;
	[tilespmem:v13+s12+$0x0] =	vst.idx.add.f32.msk vm7, v12  }
0x1c4: {  	v13 =	vand.u32 $0x7F, v20;
	v22 =	vsel vm0, v22, v10;
	v20 =	vadd.s32 v8, v26;
	v26 =	vld [tilespmem:s19+$0x0];
	s19 =	smov.u32 s21;
	s21 =	smov.u32 s24;
	s24 =	smov.u32 s26  }
0x1c5: {  	v21 =	vsel vm6, v25, v21;
	s26 =	smov.u32 s0;
	s0 =	smov.u32 s1;
	v10 =	vor.u32 v13, v20;
	v13 =	vand.u32 $0xFFFFFF80, v19;
	[tilespmem:v11+s12+$0x0] =	vst.idx.add.f32.msk vm5, v22  }
0x1c6: {  	vm9 =	vne.s32 v19, $0x0;
	v11 =	vand.u32 $0x7F, v19;
	v13 =	vadd.s32 v7, v13;
	v19 =	vld [tilespmem:s15+$0x80]  }
0x1c7: {  	v20 =	vmul.f32 v17, v3;
	v11 =	vor.u32 v11, v13;
	v13 =	vand.u32 $0xFFFFFF80, v24  }
0x1c8: {  	vm6 =	vne.s32 v24, $0x0;
	v24 =	vand.u32 $0x7F, v24;
	v13 =	vadd.s32 v6, v13  }
0x1c9: {  	v17 =	vsel vm4, v20, v17;
	v13 =	vor.u32 v24, v13;
	v20 =	vand.u32 $0xFFFFFF80, v26  }
0x1ca: {  	vm3 =	vne.s32 v26, $0x0;
	[tilespmem:v10+s12+$0x0] =	vst.idx.add.f32.msk vm10, v21;
	v10 =	vand.u32 $0x7F, v26;
	v20 =	vadd.s32 v5, v20  }
0x1cb: {  	v25 =	vmul.f32 v14, v3;
	v24 =	vld [tilespmem:s23+$0x1800];
	v20 =	vor.u32 v10, v20;
	v10 =	vand.u32 $0xFFFFFF80, v19  }
0x1cc: {  	vm1 =	vne.s32 v19, $0x0;
	[tilespmem:v11+s12+$0x0] =	vst.idx.add.f32.msk vm9, v17;
	v11 =	vand.u32 $0x7F, v19;
	v10 =	vadd.s32 v4, v10  }
0x1cd: {  	v14 =	vsel vm8, v25, v14;
	v25 =	vmul.f32 v12, v3;
	v19 =	vld [tilespmem:s20+$0x1100];
	v11 =	vor.u32 v11, v10  }
0x1ce: {  	v23 =	vand.u32 $0x7F, v23;
	v15 =	vadd.s32 v9, v15;
	v10 =	vsel vm2, v16, v18;
	[tilespmem:v13+s12+$0x0] =	vst.idx.add.f32.msk vm6, v14  }
0x1cf: {  	v12 =	vsel vm7, v25, v12;
	v16 =	vmul.f32 v22, v3;
	v13 =	vor.u32 v23, v15;
	v15 =	vld [tilespmem:s17+$0xA00]  }
0x1d0: {  	v23 =	vmul.f32 v21, v3;
	vm4 =	vne.s32 v24, $0x0;
	v25 =	vand.u32 $0xFFFFFF80, v24;
	[tilespmem:v20+s12+$0x0] =	vst.idx.add.f32.msk vm3, v12  }
0x1d1: {  	v16 =	vsel vm5, v16, v22;
	v20 =	vand.u32 $0x7F, v24;
	v24 =	vadd.s32 v8, v25;
	v25 =	vld [tilespmem:s16+$0x300]  }
0x1d2: {  	v21 =	vsel vm10, v23, v21;
	v20 =	vor.u32 v20, v24;
	v22 =	vand.u32 $0xFFFFFF80, v19;
	[tilespmem:v11+s12+$0x0] =	vst.idx.add.f32.msk vm1, v16  }
0x1d3: {  	vm0 =	vne.s32 v19, $0x0;
	v11 =	vand.u32 $0x7F, v19;
	v19 =	vadd.s32 v7, v22;
	v22 =	vld [tilespmem:s15+$0x0];
	s15 =	smov.u32 s16;
	s16 =	smov.u32 s17;
	s17 =	smov.u32 s20  }
0x1d4: {  	v23 =	vmul.f32 v17, v3;
	s20 =	smov.u32 s23;
	s23 =	smov.u32 s31;
	v11 =	vor.u32 v11, v19;
	v19 =	vand.u32 $0xFFFFFF80, v15  }
0x1d5: {  	vm5 =	vne.s32 v15, $0x0;
	[tilespmem:v13+s12+$0x0] =	vst.idx.add.f32.msk vm2, v18;
	v13 =	vand.u32 $0x7F, v15;
	v15 =	vadd.s32 v6, v19  }
0x1d6: {  	v17 =	vsel vm9, v23, v17;
	v18 =	vld [tilespmem:s23+$0x1A80];
	v13 =	vor.u32 v13, v15;
	v15 =	vand.u32 $0xFFFFFF80, v25  }
0x1d7: {  	vm2 =	vne.s32 v25, $0x0;
	v19 =	vand.u32 $0x7F, v25;
	[tilespmem:v20+s12+$0x0] =	vst.idx.add.f32.msk vm4, v21;
	v15 =	vadd.s32 v5, v15  }
0x1d8: {  	v23 =	vmul.f32 v14, v3;
	v20 =	vld [tilespmem:s20+$0x1380];
	v15 =	vor.u32 v19, v15;
	v19 =	vand.u32 $0xFFFFFF80, v22  }
0x1d9: {  	vm9 =	vne.s32 v22, $0x0;
	[tilespmem:v11+s12+$0x0] =	vst.idx.add.f32.msk vm0, v17;
	v11 =	vand.u32 $0x7F, v22;
	v19 =	vadd.s32 v4, v19;
	v4 =	vmovc v5  }
0x1da: {  	v14 =	vsel vm6, v23, v14;
	v23 =	vmul.f32 v12, v3;
	v5 =	vmovc v6;
	v22 =	vld [tilespmem:s17+$0x1080];
	v11 =	vor.u32 v11, v19  }
0x1db: {  	v6 =	vmovc v7;
	v7 =	vmovc v8;
	vm8 =	vne.s32 v18, $0x0;
	v19 =	vand.u32 $0xFFFFFF80, v18;
	v18 =	vand.u32 $0x7F, v18;
	[tilespmem:v13+s12+$0x0] =	vst.idx.add.f32.msk vm5, v14  }
0x1dc: {  	v12 =	vsel vm3, v23, v12;
	v23 =	vmul.f32 v16, v3;
	v8 =	vmovc v9;
	v13 =	vadd.s32 v9, v19;
	v19 =	vld [tilespmem:s16+$0x980]  }
0x1dd: {  	v9 =	vor.u32 v18, v13;
	vm7 =	vne.s32 v20, $0x0;
	v13 =	vand.u32 $0xFFFFFF80, v20;
	[tilespmem:v15+s12+$0x0] =	vst.idx.add.f32.msk vm2, v12  }
0x1de: {  	s29 =	sadd.s32 $0x800, s29;
	s30 =	sadd.s32 $0x100, s30;
	v16 =	vsel vm1, v23, v16;
	v15 =	vand.u32 $0x7F, v20;
	v13 =	vadd.s32 v7, v13;
	v18 =	vld [tilespmem:s15+$0x280]  }
0x1df: {  	[tilespmem:v11+s12+$0x0] =	vst.idx.add.f32.msk vm9, v16  }
0x1e0: {  	v20 =	vmul.f32 v21, v3;
	v13 =	vor.u32 v15, v13;
	v15 =	vand.u32 $0xFFFFFF80, v22;
	[hbm4b:s30+s3] =	stream.linear.scatter [tilespmem:s29], [sflag:$0x2], $0x800, $0x38;
	[tilespmem:$0xA080] =	vst v63  }
0x1e1: {  	vm6 =	vne.s32 v22, $0x0;
	v11 =	vand.u32 $0x7F, v22;
	v15 =	vadd.s32 v6, v15  }
0x1e2: {  	v16 =	vsel vm4, v20, v21;
	v11 =	vor.u32 v11, v15;
	v15 =	vand.u32 $0xFFFFFF80, v19  }
0x1e3: {  	vm3 =	vne.s32 v19, $0x0;
	[tilespmem:v9+s12+$0x0] =	vst.idx.add.f32.msk vm8, v10;
	v9 =	vand.u32 $0x7F, v19;
	v15 =	vadd.s32 v5, v15  }
0x1e4: {  	v20 =	vmul.f32 v17, v3;
	v19 =	vld [tilespmem:s23+$0x1A00];
	v9 =	vor.u32 v9, v15;
	v15 =	vand.u32 $0xFFFFFF80, v18  }
0x1e5: {  	vm1 =	vne.s32 v18, $0x0;
	[tilespmem:v13+s12+$0x0] =	vst.idx.add.f32.msk vm7, v16;
	v13 =	vand.u32 $0x7F, v18;
	v15 =	vadd.s32 v4, v15  }
0x1e6: {  	v17 =	vsel vm0, v20, v17;
	v20 =	vmul.f32 v14, v3;
	v18 =	vld [tilespmem:s20+$0x1300];
	v13 =	vor.u32 v13, v15  }
0x1e7: {  	v15 =	vmov s1;
	[tilespmem:v11+s12+$0x0] =	vst.idx.add.f32.msk vm6, v17  }
0x1e8: {  	v14 =	vsel vm5, v20, v14;
	v20 =	vmul.f32 v12, v3;
	v11 =	vshll.u32 v15, $0x7;
	v15 =	vld [tilespmem:s17+$0x1000]  }
0x1e9: {  	v21 =	vmul.f32 v10, v3;
	vm9 =	vne.s32 v19, $0x0;
	v22 =	vand.u32 $0xFFFFFF80, v19;
	[tilespmem:v9+s12+$0x0] =	vst.idx.add.f32.msk vm3, v14  }
0x1ea: {  	v12 =	vsel vm2, v20, v12;
	v9 =	vand.u32 $0x7F, v19;
	v19 =	vadd.s32 v8, v22;
	v22 =	vld [tilespmem:s16+$0x900]  }
0x1eb: {  	v10 =	vsel vm8, v21, v10;
	v9 =	vor.u32 v9, v19;
	v19 =	vand.u32 $0xFFFFFF80, v18;
	[tilespmem:v13+s12+$0x0] =	vst.idx.add.f32.msk vm1, v12  }
0x1ec: {  	s2 =	sadd.s32 $0x80, s2;
	vm0 =	vne.s32 v18, $0x0;
	v13 =	vand.u32 $0x7F, v18;
	v18 =	vadd.s32 v7, v19;
	v19 =	vld [tilespmem:s15+$0x200]  }
0x1ed: {  	s7 =	sand.u32 $0x400, s2;
	s31 =	sand.u32 $0x70, s1;
	v20 =	vmul.f32 v16, v3;
	v13 =	vor.u32 v13, v18;
	v18 =	vand.u32 $0xFFFFFF80, v15  }
0x1ee: {  	s31 =	sor.u32 s31, s7;
	vm8 =	vne.s32 v15, $0x0;
	v15 =	vand.u32 $0x7F, v15;
	v18 =	vadd.s32 v6, v18  }
0x1ef: {  	v16 =	vsel vm7, v20, v16;
	v21 =	vld [tilespmem:s31+$0x1B80];
	v15 =	vor.u32 v15, v18;
	v18 =	vand.u32 $0xFFFFFF80, v22  }
0x1f0: {  	vm7 =	vne.s32 v22, $0x0;
	[tilespmem:v9+s12+$0x0] =	vst.idx.add.f32.msk vm9, v10;
	v9 =	vand.u32 $0x7F, v22;
	v18 =	vadd.s32 v5, v18  }
0x1f1: {  	v22 =	vmul.f32 v17, v3;
	v20 =	vld [tilespmem:s23+$0x1980];
	v18 =	vor.u32 v9, v18;
	v9 =	vand.u32 $0xFFFFFF80, v19  }
0x1f2: {  	vm4 =	vne.s32 v19, $0x0;
	[tilespmem:v13+s12+$0x0] =	vst.idx.add.f32.msk vm0, v16;
	v13 =	vand.u32 $0x7F, v19;
	v9 =	vadd.s32 v4, v9  }
0x1f3: {  	v22 =	vsel vm6, v22, v17;
	v17 =	vmul.f32 v14, v3;
	v19 =	vld [tilespmem:s20+$0x1280];
	v13 =	vor.u32 v13, v9  }
0x1f4: {  	v9 =	vor.u32 v1, v11;
	vm5 =	vne.s32 v21, $0x0;
	[tilespmem:v15+s12+$0x0] =	vst.idx.add.f32.msk vm8, v22  }
0x1f5: {  	v11 =	vand.u32 $0xFFFFFF80, v21;
	v24 =	vsel vm3, v17, v14;
	v14 =	vmul.f32 v12, v3;
	v15 =	vld [tilespmem:s17+$0xB80]  }
0x1f6: {  	v17 =	vmul.f32 v10, v3;
	vm10 =	vne.s32 v20, $0x0;
	v23 =	vand.u32 $0xFFFFFF80, v20;
	[tilespmem:v18+s12+$0x0] =	vst.idx.add.f32.msk vm7, v24  }
0x1f7: {  	v18 =	vand.u32 $0x7F, v20;
	v25 =	vsel vm1, v14, v12;
	v20 =	vadd.s32 v8, v23;
	v23 =	vld [tilespmem:s16+$0x880]  }
0x1f8: {  	v26 =	vsel vm9, v17, v10;
	v10 =	vor.u32 v18, v20;
	v12 =	vand.u32 $0xFFFFFF80, v19;
	[tilespmem:v13+s12+$0x0] =	vst.idx.add.f32.msk vm4, v25  }
0x1f9: {  	vm3 =	vne.s32 v19, $0x0;
	v13 =	vand.u32 $0x7F, v19;
	v12 =	vadd.s32 v7, v12;
	v14 =	vld [tilespmem:s15+$0x180]  }
0x1fa: {  	v17 =	vmul.f32 v16, v3;
	v12 =	vor.u32 v13, v12;
	v13 =	vand.u32 $0xFFFFFF80, v15  }
0x1fb: {  	vm2 =	vne.s32 v15, $0x0;
	v15 =	vand.u32 $0x7F, v15;
	v13 =	vadd.s32 v6, v13  }
0x1fc: {  	v17 =	vsel vm0, v17, v16;
	v13 =	vor.u32 v15, v13;
	v15 =	vand.u32 $0xFFFFFF80, v23  }
0x1fd: {  	vm1 =	vne.s32 v23, $0x0;
	[tilespmem:v10+s12+$0x0] =	vst.idx.add.f32.msk vm10, v26;
	v10 =	vand.u32 $0x7F, v23;
	v15 =	vadd.s32 v5, v15  }
0x1fe: {  	v18 =	vmul.f32 v22, v3;
	v16 =	vld [tilespmem:s23+$0x1900];
	v10 =	vor.u32 v10, v15;
	v15 =	vand.u32 $0xFFFFFF80, v14  }
0x1ff: {  	vm0 =	vne.s32 v14, $0x0;
	[tilespmem:v12+s12+$0x0] =	vst.idx.add.f32.msk vm3, v17;
	v12 =	vand.u32 $0x7F, v14;
	v15 =	vadd.s32 v4, v15  }
0x200: {  	v20 =	vmul.f32 v24, v3;
	v14 =	vsel vm8, v18, v22;
	v19 =	vld [tilespmem:s20+$0x1200];
	v27 =	vor.u32 v12, v15  }
0x201: {  	v11 =	vadd.s32 v9, v11;
	v18 =	vnsel vm5, $0x3F800000, v3;
	v12 =	vand.u32 $0x7F, v21;
	[tilespmem:v13+s12+$0x0] =	vst.idx.add.f32.msk vm2, v14  }
0x202: {  	v23 =	vor.u32 v12, v11;
	v12 =	vsel vm7, v20, v24;
	v11 =	vmul.f32 v25, v3;
	v15 =	vld [tilespmem:s17+$0xB00]  }
.Ltmp1:
0x203: {  	v20 =	vmul.f32 v26, v3;
	vm6 =	vne.s32 v16, $0x0;
	v13 =	vand.u32 $0xFFFFFF80, v16;
	[tilespmem:v10+s12+$0x0] =	vst.idx.add.f32.msk vm1, v12;
	(pc) =	sbr.rel @p0 .LBB2_4-.Ltmp1, $4  }
0x204: {  	v16 =	vand.u32 $0x7F, v16;
	v10 =	vsel vm4, v11, v25;
	v22 =	vadd.s32 v8, v13;
	v13 =	vld [tilespmem:s16+$0x800]  }
0x205: {  	v21 =	vsel vm10, v20, v26;
	v22 =	vor.u32 v16, v22;
	v11 =	vand.u32 $0xFFFFFF80, v19;
	[tilespmem:v27+s12+$0x0] =	vst.idx.add.f32.msk vm0, v10  }
0x206: {  	vm4 =	vne.s32 v19, $0x0;
	v16 =	vand.u32 $0x7F, v19;
	v19 =	vadd.s32 v7, v11;
	v11 =	vld [tilespmem:s15+$0x100]  }
0x207: {  	s1 =	sadd.s32 $0x10, s1;
	v20 =	vmul.f32 v17, v3;
	v19 =	vor.u32 v16, v19;
	v16 =	vand.u32 $0xFFFFFF80, v15  }
0x208: {  	_ =	sdelay $0x4  }
0x209: {  	[tilespmem:v23+s12+$0x0] =	vst.idx.add.f32.msk vm5, v2  }
0x20a: {  	v23 =	vld [tilespmem:s31+$0x1B00];
	_ =	sdelay $0x4  }
0x20b: {  	v24 =	vand.u32 $0xFFFFFF80, v23  }
0x20c: {  	vm12 =	vne.s32 v23, $0x0;
	v23 =	vand.u32 $0x7F, v23;
	v24 =	vadd.s32 v9, v24  }
0x20d: {  	v23 =	vor.u32 v23, v24;
	_ =	sdelay $0x4  }
0x20e: {  	[tilespmem:v23+s12+$0x0] =	vst.idx.add.f32.msk vm12, v18  }
0x20f: {  	v23 =	vld [tilespmem:s31+$0x1A80];
	_ =	sdelay $0x4  }
0x210: {  	v43 =	vand.u32 $0xFFFFFF80, v23  }
0x211: {  	vm7 =	vne.s32 v23, $0x0;
	v23 =	vand.u32 $0x7F, v23;
	v24 =	vadd.s32 v9, v43  }
0x212: {  	v23 =	vor.u32 v23, v24;
	_ =	sdelay $0x1  }
0x213: {  	v44 =	vmul.f32 v18, v3;
	_ =	sdelay $0x1  }
0x214: {  	v18 =	vsel vm12, v44, v18  }
0x215: {  	[tilespmem:v23+s12+$0x0] =	vst.idx.add.f32.msk vm7, v18  }
0x216: {  	v23 =	vld [tilespmem:s31+$0x1A00];
	_ =	sdelay $0x4  }
0x217: {  	v45 =	vand.u32 $0xFFFFFF80, v23  }
0x218: {  	vm13 =	vne.s32 v23, $0x0;
	v23 =	vand.u32 $0x7F, v23;
	v24 =	vadd.s32 v9, v45  }
0x219: {  	v23 =	vor.u32 v23, v24;
	_ =	sdelay $0x1  }
0x21a: {  	v46 =	vmul.f32 v18, v3;
	_ =	sdelay $0x1  }
0x21b: {  	v18 =	vsel vm7, v46, v18  }
0x21c: {  	[tilespmem:v23+s12+$0x0] =	vst.idx.add.f32.msk vm13, v18  }
0x21d: {  	v23 =	vld [tilespmem:s31+$0x1980];
	_ =	sdelay $0x4  }
0x21e: {  	v47 =	vand.u32 $0xFFFFFF80, v23  }
0x21f: {  	vm14 =	vne.s32 v23, $0x0;
	v23 =	vand.u32 $0x7F, v23;
	v24 =	vadd.s32 v9, v47  }
0x220: {  	v23 =	vor.u32 v23, v24;
	_ =	sdelay $0x1  }
0x221: {  	v48 =	vmul.f32 v18, v3;
	_ =	sdelay $0x1  }
0x222: {  	v18 =	vsel vm13, v48, v18  }
0x223: {  	[tilespmem:v23+s12+$0x0] =	vst.idx.add.f32.msk vm14, v18  }
0x224: {  	v23 =	vld [tilespmem:s31+$0x1900];
	_ =	sdelay $0x4  }
0x225: {  	v49 =	vand.u32 $0xFFFFFF80, v23  }
0x226: {  	vm15 =	vne.s32 v23, $0x0;
	v23 =	vand.u32 $0x7F, v23;
	v24 =	vadd.s32 v9, v49  }
0x227: {  	v23 =	vor.u32 v23, v24;
	_ =	sdelay $0x1  }
0x228: {  	v50 =	vmul.f32 v18, v3  }
0x229: {  	[tilespmem:v22+s12+$0x0] =	vst.idx.add.f32.msk vm6, v21  }
0x22a: {  	v22 =	vld [tilespmem:s23+$0x1880];
	v18 =	vsel vm14, v50, v18  }
0x22b: {  	[tilespmem:v23+s12+$0x0] =	vst.idx.add.f32.msk vm15, v18  }
0x22c: {  	v23 =	vld [tilespmem:s31+$0x1880];
	_ =	sdelay $0x2  }
0x22d: {  	v51 =	vand.u32 $0xFFFFFF80, v22  }
0x22e: {  	vm12 =	vne.s32 v22, $0x0;
	v22 =	vand.u32 $0x7F, v22;
	v24 =	vadd.s32 v8, v51  }
0x22f: {  	v22 =	vor.u32 v22, v24;
	v52 =	vand.u32 $0xFFFFFF80, v23  }
0x230: {  	vm8 =	vne.s32 v23, $0x0;
	v23 =	vand.u32 $0x7F, v23;
	v24 =	vadd.s32 v9, v52  }
0x231: {  	v25 =	vmul.f32 v21, v3;
	v23 =	vor.u32 v23, v24;
	_ =	sdelay $0x1  }
0x232: {  	v21 =	vsel vm6, v25, v21;
	v53 =	vmul.f32 v18, v3  }
0x233: {  	[tilespmem:v22+s12+$0x0] =	vst.idx.add.f32.msk vm12, v21  }
0x234: {  	v18 =	vsel vm15, v53, v18;
	v22 =	vld [tilespmem:s23+$0x1800]  }
0x235: {  	[tilespmem:v23+s12+$0x0] =	vst.idx.add.f32.msk vm8, v18  }
0x236: {  	v23 =	vld [tilespmem:s31+$0x1800];
	_ =	sdelay $0x2  }
0x237: {  	v54 =	vand.u32 $0xFFFFFF80, v22  }
0x238: {  	vm13 =	vne.s32 v22, $0x0;
	v22 =	vand.u32 $0x7F, v22;
	v24 =	vadd.s32 v8, v54  }
0x239: {  	v22 =	vor.u32 v22, v24;
	v55 =	vand.u32 $0xFFFFFF80, v23  }
0x23a: {  	vm14 =	vne.s32 v23, $0x0;
	v23 =	vand.u32 $0x7F, v23;
	v24 =	vadd.s32 v9, v55  }
0x23b: {  	v25 =	vmul.f32 v21, v3;
	v23 =	vor.u32 v23, v24;
	_ =	sdelay $0x1  }
0x23c: {  	v21 =	vsel vm12, v25, v21;
	v56 =	vmul.f32 v18, v3  }
0x23d: {  	[tilespmem:v22+s12+$0x0] =	vst.idx.add.f32.msk vm13, v21  }
0x23e: {  	v18 =	vsel vm8, v56, v18;
	v22 =	vld [tilespmem:s23+$0x1380]  }
0x23f: {  	[tilespmem:v23+s12+$0x0] =	vst.idx.add.f32.msk vm14, v18  }
0x240: {  	v23 =	vld [tilespmem:s31+$0x1380];
	_ =	sdelay $0x2  }
0x241: {  	v57 =	vand.u32 $0xFFFFFF80, v22  }
0x242: {  	vm15 =	vne.s32 v22, $0x0;
	v22 =	vand.u32 $0x7F, v22;
	v24 =	vadd.s32 v8, v57  }
0x243: {  	v22 =	vor.u32 v22, v24;
	v58 =	vand.u32 $0xFFFFFF80, v23  }
0x244: {  	vm12 =	vne.s32 v23, $0x0;
	v23 =	vand.u32 $0x7F, v23;
	v24 =	vadd.s32 v9, v58  }
0x245: {  	v25 =	vmul.f32 v21, v3;
	v23 =	vor.u32 v23, v24;
	_ =	sdelay $0x1  }
0x246: {  	v21 =	vsel vm13, v25, v21;
	v59 =	vmul.f32 v18, v3  }
0x247: {  	[tilespmem:v22+s12+$0x0] =	vst.idx.add.f32.msk vm15, v21  }
0x248: {  	v18 =	vsel vm14, v59, v18;
	v22 =	vld [tilespmem:s23+$0x1300]  }
0x249: {  	[tilespmem:v23+s12+$0x0] =	vst.idx.add.f32.msk vm12, v18  }
0x24a: {  	v23 =	vld [tilespmem:s31+$0x1300];
	_ =	sdelay $0x2  }
0x24b: {  	v60 =	vand.u32 $0xFFFFFF80, v22  }
0x24c: {  	vm13 =	vne.s32 v22, $0x0;
	v22 =	vand.u32 $0x7F, v22;
	v24 =	vadd.s32 v8, v60  }
0x24d: {  	v22 =	vor.u32 v22, v24;
	v61 =	vand.u32 $0xFFFFFF80, v23  }
0x24e: {  	vm14 =	vne.s32 v23, $0x0;
	v23 =	vand.u32 $0x7F, v23;
	v24 =	vadd.s32 v9, v61  }
0x24f: {  	v25 =	vmul.f32 v21, v3;
	v23 =	vor.u32 v23, v24;
	_ =	sdelay $0x1  }
0x250: {  	v21 =	vsel vm15, v25, v21;
	v62 =	vmul.f32 v18, v3  }
0x251: {  	[tilespmem:v22+s12+$0x0] =	vst.idx.add.f32.msk vm13, v21  }
0x252: {  	v18 =	vsel vm12, v62, v18;
	v22 =	vld [tilespmem:s23+$0x1280]  }
0x253: {  	[tilespmem:v23+s12+$0x0] =	vst.idx.add.f32.msk vm14, v18  }
0x254: {  	v23 =	vld [tilespmem:s31+$0x1280];
	_ =	sdelay $0x2  }
0x255: {  	v63 =	vand.u32 $0xFFFFFF80, v22  }
0x256: {  	vm15 =	vne.s32 v22, $0x0;
	v22 =	vand.u32 $0x7F, v22;
	v24 =	vadd.s32 v8, v63  }
0x257: {  	v22 =	vor.u32 v22, v24;
	v28 =	vand.u32 $0xFFFFFF80, v23  }
0x258: {  	vm9 =	vne.s32 v23, $0x0;
	v23 =	vand.u32 $0x7F, v23;
	v24 =	vadd.s32 v9, v28  }
0x259: {  	v25 =	vmul.f32 v21, v3;
	v23 =	vor.u32 v23, v24;
	_ =	sdelay $0x1  }
0x25a: {  	v21 =	vsel vm13, v25, v21;
	v29 =	vmul.f32 v18, v3  }
0x25b: {  	[tilespmem:v22+s12+$0x0] =	vst.idx.add.f32.msk vm15, v21  }
0x25c: {  	v18 =	vsel vm14, v29, v18;
	v22 =	vld [tilespmem:s23+$0x1200]  }
0x25d: {  	[tilespmem:v23+s12+$0x0] =	vst.idx.add.f32.msk vm9, v18  }
0x25e: {  	v23 =	vld [tilespmem:s31+$0x1200];
	_ =	sdelay $0x2  }
0x25f: {  	v30 =	vand.u32 $0xFFFFFF80, v22  }
0x260: {  	vm12 =	vne.s32 v22, $0x0;
	v22 =	vand.u32 $0x7F, v22;
	v24 =	vadd.s32 v8, v30  }
0x261: {  	v22 =	vor.u32 v22, v24;
	v31 =	vand.u32 $0xFFFFFF80, v23  }
0x262: {  	vm13 =	vne.s32 v23, $0x0;
	v23 =	vand.u32 $0x7F, v23;
	v24 =	vadd.s32 v9, v31  }
0x263: {  	v17 =	vsel vm3, v20, v17;
	v32 =	vmul.f32 v21, v3;
	v23 =	vor.u32 v23, v24  }
0x264: {  	[tilespmem:v19+s12+$0x0] =	vst.idx.add.f32.msk vm4, v17  }
0x265: {  	v19 =	vld [tilespmem:s20+$0x1180];
	v20 =	vsel vm15, v32, v21;
	v33 =	vmul.f32 v18, v3  }
0x266: {  	[tilespmem:v22+s12+$0x0] =	vst.idx.add.f32.msk vm12, v20  }
0x267: {  	v18 =	vsel vm9, v33, v18;
	v22 =	vld [tilespmem:s23+$0x1180]  }
0x268: {  	[tilespmem:v23+s12+$0x0] =	vst.idx.add.f32.msk vm13, v18  }
0x269: {  	v34 =	vld [tilespmem:s31+$0x1180]  }
0x26a: {  	v35 =	vand.u32 $0xFFFFFF80, v19  }
0x26b: {  	vm5 =	vne.s32 v19, $0x0;
	v19 =	vand.u32 $0x7F, v19;
	v23 =	vadd.s32 v7, v35  }
0x26c: {  	v36 =	vand.u32 $0xFFFFFF80, v22;
	v19 =	vor.u32 v19, v23  }
0x26d: {  	vm3 =	vne.s32 v22, $0x0;
	v22 =	vand.u32 $0x7F, v22;
	v23 =	vadd.s32 v8, v36  }
0x26e: {  	v37 =	vmul.f32 v17, v3;
	v22 =	vor.u32 v22, v23;
	v38 =	vand.u32 $0xFFFFFF80, v34  }
0x26f: {  	vm14 =	vne.s32 v34, $0x0;
	v21 =	vand.u32 $0x7F, v34;
	v23 =	vadd.s32 v9, v38  }
0x270: {  	v17 =	vsel vm4, v37, v17;
	v39 =	vmul.f32 v20, v3;
	v21 =	vor.u32 v21, v23  }
0x271: {  	[tilespmem:v19+s12+$0x0] =	vst.idx.add.f32.msk vm5, v17  }
0x272: {  	v20 =	vsel vm12, v39, v20;
	v40 =	vmul.f32 v18, v3;
	v19 =	vld [tilespmem:s20+$0x1100]  }
0x273: {  	[tilespmem:v22+s12+$0x0] =	vst.idx.add.f32.msk vm3, v20  }
0x274: {  	v18 =	vsel vm13, v40, v18;
	v22 =	vld [tilespmem:s23+$0x1100]  }
0x275: {  	[tilespmem:v21+s12+$0x0] =	vst.idx.add.f32.msk vm14, v18  }
0x276: {  	v21 =	vld [tilespmem:s31+$0x1100]  }
0x277: {  	v41 =	vand.u32 $0xFFFFFF80, v19  }
0x278: {  	vm15 =	vne.s32 v19, $0x0;
	v19 =	vand.u32 $0x7F, v19;
	v23 =	vadd.s32 v7, v41  }
0x279: {  	v42 =	vand.u32 $0xFFFFFF80, v22;
	v19 =	vor.u32 v19, v23  }
0x27a: {  	vm12 =	vne.s32 v22, $0x0;
	v22 =	vand.u32 $0x7F, v22;
	v23 =	vadd.s32 v8, v42  }
0x27b: {  	v43 =	vmul.f32 v17, v3;
	v22 =	vor.u32 v22, v23;
	v44 =	vand.u32 $0xFFFFFF80, v21  }
0x27c: {  	vm13 =	vne.s32 v21, $0x0;
	v21 =	vand.u32 $0x7F, v21;
	v23 =	vadd.s32 v9, v44  }
0x27d: {  	v45 =	vmul.f32 v20, v3;
	v17 =	vsel vm5, v43, v17;
	v21 =	vor.u32 v21, v23  }
0x27e: {  	[tilespmem:v19+s12+$0x0] =	vst.idx.add.f32.msk vm15, v17  }
0x27f: {  	v46 =	vmul.f32 v18, v3;
	v20 =	vsel vm3, v45, v20;
	v19 =	vld [tilespmem:s20+$0x1080]  }
0x280: {  	[tilespmem:v22+s12+$0x0] =	vst.idx.add.f32.msk vm12, v20  }
0x281: {  	v18 =	vsel vm14, v46, v18;
	v22 =	vld [tilespmem:s23+$0x1080]  }
0x282: {  	[tilespmem:v21+s12+$0x0] =	vst.idx.add.f32.msk vm13, v18  }
0x283: {  	v21 =	vld [tilespmem:s31+$0x1080]  }
0x284: {  	v47 =	vand.u32 $0xFFFFFF80, v19  }
0x285: {  	vm5 =	vne.s32 v19, $0x0;
	v19 =	vand.u32 $0x7F, v19;
	v23 =	vadd.s32 v7, v47  }
0x286: {  	v48 =	vand.u32 $0xFFFFFF80, v22;
	v19 =	vor.u32 v19, v23  }
0x287: {  	vm3 =	vne.s32 v22, $0x0;
	v22 =	vand.u32 $0x7F, v22;
	v23 =	vadd.s32 v8, v48  }
0x288: {  	v49 =	vmul.f32 v17, v3;
	v22 =	vor.u32 v22, v23;
	v50 =	vand.u32 $0xFFFFFF80, v21  }
0x289: {  	vm14 =	vne.s32 v21, $0x0;
	v21 =	vand.u32 $0x7F, v21;
	v23 =	vadd.s32 v9, v50  }
0x28a: {  	v51 =	vmul.f32 v20, v3;
	v17 =	vsel vm15, v49, v17;
	v21 =	vor.u32 v21, v23  }
0x28b: {  	[tilespmem:v19+s12+$0x0] =	vst.idx.add.f32.msk vm5, v17  }
0x28c: {  	v52 =	vmul.f32 v18, v3;
	v20 =	vsel vm12, v51, v20;
	v19 =	vld [tilespmem:s20+$0x1000]  }
0x28d: {  	[tilespmem:v22+s12+$0x0] =	vst.idx.add.f32.msk vm3, v20  }
0x28e: {  	v18 =	vsel vm13, v52, v18;
	v22 =	vld [tilespmem:s23+$0x1000]  }
0x28f: {  	[tilespmem:v21+s12+$0x0] =	vst.idx.add.f32.msk vm14, v18  }
0x290: {  	v21 =	vld [tilespmem:s31+$0x1000]  }
0x291: {  	v53 =	vand.u32 $0xFFFFFF80, v19  }
0x292: {  	vm15 =	vne.s32 v19, $0x0;
	v19 =	vand.u32 $0x7F, v19;
	v23 =	vadd.s32 v7, v53  }
0x293: {  	v54 =	vand.u32 $0xFFFFFF80, v22;
	v19 =	vor.u32 v19, v23  }
0x294: {  	vm12 =	vne.s32 v22, $0x0;
	v22 =	vand.u32 $0x7F, v22;
	v23 =	vadd.s32 v8, v54  }
0x295: {  	v55 =	vmul.f32 v17, v3;
	v22 =	vor.u32 v22, v23;
	v56 =	vand.u32 $0xFFFFFF80, v21  }
0x296: {  	vm13 =	vne.s32 v21, $0x0;
	v21 =	vand.u32 $0x7F, v21;
	v23 =	vadd.s32 v9, v56  }
0x297: {  	v57 =	vmul.f32 v20, v3;
	v17 =	vsel vm5, v55, v17;
	v21 =	vor.u32 v21, v23  }
0x298: {  	[tilespmem:v19+s12+$0x0] =	vst.idx.add.f32.msk vm15, v17  }
0x299: {  	v58 =	vmul.f32 v18, v3;
	v20 =	vsel vm3, v57, v20;
	v19 =	vld [tilespmem:s20+$0xB80]  }
0x29a: {  	[tilespmem:v22+s12+$0x0] =	vst.idx.add.f32.msk vm12, v20  }
0x29b: {  	v18 =	vsel vm14, v58, v18;
	v22 =	vld [tilespmem:s23+$0xB80]  }
0x29c: {  	[tilespmem:v21+s12+$0x0] =	vst.idx.add.f32.msk vm13, v18  }
0x29d: {  	v21 =	vld [tilespmem:s31+$0xB80]  }
0x29e: {  	v59 =	vand.u32 $0xFFFFFF80, v19  }
0x29f: {  	vm7 =	vne.s32 v19, $0x0;
	v19 =	vand.u32 $0x7F, v19;
	v23 =	vadd.s32 v7, v59  }
0x2a0: {  	v60 =	vand.u32 $0xFFFFFF80, v22;
	v19 =	vor.u32 v19, v23  }
0x2a1: {  	vm5 =	vne.s32 v22, $0x0;
	v22 =	vand.u32 $0x7F, v22;
	v23 =	vadd.s32 v8, v60  }
0x2a2: {  	v61 =	vmul.f32 v17, v3;
	v22 =	vor.u32 v22, v23;
	v62 =	vand.u32 $0xFFFFFF80, v21  }
0x2a3: {  	vm14 =	vne.s32 v21, $0x0;
	v21 =	vand.u32 $0x7F, v21;
	v23 =	vadd.s32 v9, v62  }
0x2a4: {  	v63 =	vmul.f32 v20, v3;
	v17 =	vsel vm15, v61, v17;
	v21 =	vor.u32 v21, v23  }
0x2a5: {  	[tilespmem:v19+s12+$0x0] =	vst.idx.add.f32.msk vm7, v17  }
0x2a6: {  	v24 =	vmul.f32 v18, v3;
	v20 =	vsel vm12, v63, v20;
	v19 =	vld [tilespmem:s20+$0xB00]  }
0x2a7: {  	[tilespmem:v22+s12+$0x0] =	vst.idx.add.f32.msk vm5, v20  }
0x2a8: {  	v18 =	vsel vm13, v24, v18;
	v22 =	vld [tilespmem:s23+$0xB00]  }
0x2a9: {  	[tilespmem:v21+s12+$0x0] =	vst.idx.add.f32.msk vm14, v18  }
0x2aa: {  	v16 =	vadd.s32 v6, v16;
	v25 =	vand.u32 $0x7F, v15;
	vm15 =	vne.s32 v15, $0x0;
	v21 =	vld [tilespmem:s31+$0xB00]  }
0x2ab: {  	v26 =	vmul.f32 v14, v3;
	v15 =	vor.u32 v25, v16;
	v27 =	vand.u32 $0xFFFFFF80, v19  }
0x2ac: {  	vm3 =	vne.s32 v19, $0x0;
	v19 =	vand.u32 $0x7F, v19;
	v23 =	vadd.s32 v7, v27  }
0x2ad: {  	v14 =	vsel vm2, v26, v14;
	v29 =	vand.u32 $0xFFFFFF80, v22;
	v28 =	vor.u32 v19, v23  }
0x2ae: {  	vm12 =	vne.s32 v22, $0x0;
	v22 =	vand.u32 $0x7F, v22;
	v19 =	vadd.s32 v8, v29  }
0x2af: {  	v30 =	vmul.f32 v17, v3;
	v19 =	vor.u32 v22, v19;
	v31 =	vand.u32 $0xFFFFFF80, v21  }
0x2b0: {  	[tilespmem:v15+s12+$0x0] =	vst.idx.add.f32.msk vm15, v14;
	vm13 =	vne.s32 v21, $0x0;
	v32 =	vand.u32 $0x7F, v21;
	v33 =	vadd.s32 v9, v31  }
0x2b1: {  	v35 =	vmul.f32 v20, v3;
	v34 =	vld [tilespmem:s17+$0xA80];
	v17 =	vsel vm7, v30, v17;
	v15 =	vor.u32 v32, v33  }
0x2b2: {  	[tilespmem:v28+s12+$0x0] =	vst.idx.add.f32.msk vm3, v17  }
0x2b3: {  	v36 =	vmul.f32 v18, v3;
	v20 =	vsel vm5, v35, v20;
	v16 =	vld [tilespmem:s20+$0xA80]  }
0x2b4: {  	[tilespmem:v19+s12+$0x0] =	vst.idx.add.f32.msk vm12, v20  }
0x2b5: {  	v18 =	vsel vm14, v36, v18;
	v19 =	vld [tilespmem:s23+$0xA80]  }
0x2b6: {  	v37 =	vand.u32 $0xFFFFFF80, v34;
	[tilespmem:v15+s12+$0x0] =	vst.idx.add.f32.msk vm13, v18  }
0x2b7: {  	v38 =	vand.u32 $0x7F, v34;
	vm14 =	vne.s32 v34, $0x0;
	v21 =	vadd.s32 v6, v37;
	v39 =	vld [tilespmem:s31+$0xA80]  }
0x2b8: {  	v40 =	vmul.f32 v14, v3;
	v41 =	vand.u32 $0xFFFFFF80, v16;
	v15 =	vor.u32 v38, v21  }
0x2b9: {  	vm2 =	vne.s32 v16, $0x0;
	v16 =	vand.u32 $0x7F, v16;
	v23 =	vadd.s32 v7, v41  }
0x2ba: {  	v14 =	vsel vm15, v40, v14;
	v42 =	vand.u32 $0xFFFFFF80, v19;
	v16 =	vor.u32 v16, v23  }
0x2bb: {  	vm5 =	vne.s32 v19, $0x0;
	v19 =	vand.u32 $0x7F, v19;
	v21 =	vadd.s32 v8, v42  }
0x2bc: {  	v43 =	vmul.f32 v17, v3;
	v19 =	vor.u32 v19, v21;
	v44 =	vand.u32 $0xFFFFFF80, v39  }
0x2bd: {  	[tilespmem:v15+s12+$0x0] =	vst.idx.add.f32.msk vm14, v14;
	vm15 =	vne.s32 v39, $0x0;
	v45 =	vand.u32 $0x7F, v39;
	v21 =	vadd.s32 v9, v44  }
0x2be: {  	v47 =	vmul.f32 v20, v3;
	v17 =	vsel vm3, v43, v17;
	v46 =	vld [tilespmem:s17+$0xA00];
	v15 =	vor.u32 v45, v21  }
0x2bf: {  	[tilespmem:v16+s12+$0x0] =	vst.idx.add.f32.msk vm2, v17  }
0x2c0: {  	v48 =	vmul.f32 v18, v3;
	v20 =	vsel vm12, v47, v20;
	v16 =	vld [tilespmem:s20+$0xA00]  }
0x2c1: {  	[tilespmem:v19+s12+$0x0] =	vst.idx.add.f32.msk vm5, v20  }
0x2c2: {  	v18 =	vsel vm13, v48, v18;
	v19 =	vld [tilespmem:s23+$0xA00]  }
0x2c3: {  	v49 =	vand.u32 $0xFFFFFF80, v46;
	[tilespmem:v15+s12+$0x0] =	vst.idx.add.f32.msk vm15, v18  }
0x2c4: {  	vm12 =	vne.s32 v46, $0x0;
	v50 =	vand.u32 $0x7F, v46;
	v21 =	vadd.s32 v6, v49;
	v51 =	vld [tilespmem:s31+$0xA00]  }
0x2c5: {  	v52 =	vmul.f32 v14, v3;
	v53 =	vand.u32 $0xFFFFFF80, v16;
	v15 =	vor.u32 v50, v21  }
0x2c6: {  	vm3 =	vne.s32 v16, $0x0;
	v16 =	vand.u32 $0x7F, v16;
	v23 =	vadd.s32 v7, v53  }
0x2c7: {  	v55 =	vmul.f32 v17, v3;
	v54 =	vand.u32 $0xFFFFFF80, v19;
	v16 =	vor.u32 v16, v23  }
0x2c8: {  	vm13 =	vne.s32 v19, $0x0;
	v19 =	vand.u32 $0x7F, v19;
	v21 =	vadd.s32 v8, v54  }
0x2c9: {  	v14 =	vsel vm14, v52, v14;
	v19 =	vor.u32 v19, v21;
	v56 =	vand.u32 $0xFFFFFF80, v51  }
0x2ca: {  	[tilespmem:v15+s12+$0x0] =	vst.idx.add.f32.msk vm12, v14;
	vm14 =	vne.s32 v51, $0x0;
	v57 =	vand.u32 $0x7F, v51;
	v21 =	vadd.s32 v9, v56  }
0x2cb: {  	v59 =	vmul.f32 v20, v3;
	v17 =	vsel vm2, v55, v17;
	v58 =	vld [tilespmem:s17+$0x980];
	v15 =	vor.u32 v57, v21  }
0x2cc: {  	[tilespmem:v16+s12+$0x0] =	vst.idx.add.f32.msk vm3, v17  }
0x2cd: {  	v60 =	vmul.f32 v18, v3;
	v20 =	vsel vm5, v59, v20;
	v16 =	vld [tilespmem:s20+$0x980]  }
0x2ce: {  	[tilespmem:v19+s12+$0x0] =	vst.idx.add.f32.msk vm13, v20  }
0x2cf: {  	v18 =	vsel vm15, v60, v18;
	v19 =	vld [tilespmem:s23+$0x980]  }
0x2d0: {  	v61 =	vand.u32 $0xFFFFFF80, v58;
	[tilespmem:v15+s12+$0x0] =	vst.idx.add.f32.msk vm14, v18  }
0x2d1: {  	vm15 =	vne.s32 v58, $0x0;
	v62 =	vand.u32 $0x7F, v58;
	v21 =	vadd.s32 v6, v61;
	v63 =	vld [tilespmem:s31+$0x980]  }
0x2d2: {  	v24 =	vmul.f32 v14, v3;
	v25 =	vand.u32 $0xFFFFFF80, v16;
	v15 =	vor.u32 v62, v21  }
0x2d3: {  	vm4 =	vne.s32 v16, $0x0;
	v16 =	vand.u32 $0x7F, v16;
	v23 =	vadd.s32 v7, v25  }
0x2d4: {  	v27 =	vmul.f32 v17, v3;
	v26 =	vand.u32 $0xFFFFFF80, v19;
	v16 =	vor.u32 v16, v23  }
0x2d5: {  	vm5 =	vne.s32 v19, $0x0;
	v19 =	vand.u32 $0x7F, v19;
	v21 =	vadd.s32 v8, v26  }
0x2d6: {  	v14 =	vsel vm12, v24, v14;
	v19 =	vor.u32 v19, v21;
	v28 =	vand.u32 $0xFFFFFF80, v63  }
0x2d7: {  	[tilespmem:v15+s12+$0x0] =	vst.idx.add.f32.msk vm15, v14;
	vm12 =	vne.s32 v63, $0x0;
	v29 =	vand.u32 $0x7F, v63;
	v21 =	vadd.s32 v9, v28  }
0x2d8: {  	v31 =	vmul.f32 v20, v3;
	v17 =	vsel vm3, v27, v17;
	v30 =	vld [tilespmem:s17+$0x900];
	v15 =	vor.u32 v29, v21  }
0x2d9: {  	[tilespmem:v16+s12+$0x0] =	vst.idx.add.f32.msk vm4, v17  }
0x2da: {  	v32 =	vmul.f32 v18, v3;
	v20 =	vsel vm13, v31, v20;
	v16 =	vld [tilespmem:s20+$0x900]  }
0x2db: {  	[tilespmem:v19+s12+$0x0] =	vst.idx.add.f32.msk vm5, v20  }
0x2dc: {  	v18 =	vsel vm14, v32, v18;
	v19 =	vld [tilespmem:s23+$0x900]  }
0x2dd: {  	v33 =	vand.u32 $0xFFFFFF80, v30;
	[tilespmem:v15+s12+$0x0] =	vst.idx.add.f32.msk vm12, v18  }
0x2de: {  	vm13 =	vne.s32 v30, $0x0;
	v34 =	vand.u32 $0x7F, v30;
	v21 =	vadd.s32 v6, v33;
	v35 =	vld [tilespmem:s31+$0x900]  }
0x2df: {  	v36 =	vmul.f32 v14, v3;
	v37 =	vand.u32 $0xFFFFFF80, v16;
	v15 =	vor.u32 v34, v21  }
0x2e0: {  	vm8 =	vne.s32 v16, $0x0;
	v16 =	vand.u32 $0x7F, v16;
	v23 =	vadd.s32 v7, v37  }
0x2e1: {  	v39 =	vmul.f32 v17, v3;
	v38 =	vand.u32 $0xFFFFFF80, v19;
	v16 =	vor.u32 v16, v23  }
0x2e2: {  	vm14 =	vne.s32 v19, $0x0;
	v19 =	vand.u32 $0x7F, v19;
	v21 =	vadd.s32 v8, v38  }
0x2e3: {  	v14 =	vsel vm15, v36, v14;
	v19 =	vor.u32 v19, v21;
	v40 =	vand.u32 $0xFFFFFF80, v35  }
0x2e4: {  	[tilespmem:v15+s12+$0x0] =	vst.idx.add.f32.msk vm13, v14;
	vm15 =	vne.s32 v35, $0x0;
	v41 =	vand.u32 $0x7F, v35;
	v21 =	vadd.s32 v9, v40  }
0x2e5: {  	v43 =	vmul.f32 v20, v3;
	v17 =	vsel vm4, v39, v17;
	v42 =	vld [tilespmem:s17+$0x880];
	v15 =	vor.u32 v41, v21  }
0x2e6: {  	[tilespmem:v16+s12+$0x0] =	vst.idx.add.f32.msk vm8, v17  }
0x2e7: {  	v44 =	vmul.f32 v18, v3;
	v20 =	vsel vm5, v43, v20;
	v16 =	vld [tilespmem:s20+$0x880]  }
0x2e8: {  	[tilespmem:v19+s12+$0x0] =	vst.idx.add.f32.msk vm14, v20  }
0x2e9: {  	v18 =	vsel vm12, v44, v18;
	v19 =	vld [tilespmem:s23+$0x880]  }
0x2ea: {  	v45 =	vand.u32 $0xFFFFFF80, v42;
	[tilespmem:v15+s12+$0x0] =	vst.idx.add.f32.msk vm15, v18  }
0x2eb: {  	vm12 =	vne.s32 v42, $0x0;
	v46 =	vand.u32 $0x7F, v42;
	v21 =	vadd.s32 v6, v45;
	v47 =	vld [tilespmem:s31+$0x880]  }
0x2ec: {  	v48 =	vmul.f32 v14, v3;
	v49 =	vand.u32 $0xFFFFFF80, v16;
	v15 =	vor.u32 v46, v21  }
0x2ed: {  	vm7 =	vne.s32 v16, $0x0;
	v16 =	vand.u32 $0x7F, v16;
	v23 =	vadd.s32 v7, v49  }
0x2ee: {  	v14 =	vsel vm13, v48, v14;
	v50 =	vand.u32 $0xFFFFFF80, v19;
	v16 =	vor.u32 v16, v23  }
0x2ef: {  	vm13 =	vne.s32 v19, $0x0;
	v19 =	vand.u32 $0x7F, v19;
	v21 =	vadd.s32 v8, v50  }
0x2f0: {  	v51 =	vmul.f32 v17, v3;
	v19 =	vor.u32 v19, v21;
	v52 =	vand.u32 $0xFFFFFF80, v47  }
0x2f1: {  	[tilespmem:v15+s12+$0x0] =	vst.idx.add.f32.msk vm12, v14;
	vm4 =	vne.s32 v47, $0x0;
	v53 =	vand.u32 $0x7F, v47;
	v21 =	vadd.s32 v9, v52  }
0x2f2: {  	v55 =	vmul.f32 v20, v3;
	v17 =	vsel vm8, v51, v17;
	v54 =	vld [tilespmem:s17+$0x800];
	v15 =	vor.u32 v53, v21  }
0x2f3: {  	[tilespmem:v16+s12+$0x0] =	vst.idx.add.f32.msk vm7, v17  }
0x2f4: {  	v58 =	vmul.f32 v18, v3;
	v20 =	vsel vm14, v55, v20;
	v57 =	vld [tilespmem:s20+$0x800]  }
0x2f5: {  	v59 =	vand.u32 $0x7F, v13;
	v60 =	vmul.f32 v12, v3;
	v56 =	vand.u32 $0xFFFFFF80, v13;
	[tilespmem:v19+s12+$0x0] =	vst.idx.add.f32.msk vm13, v20  }
0x2f6: {  	vm14 =	vne.s32 v13, $0x0;
	v18 =	vsel vm15, v58, v18;
	v16 =	vadd.s32 v5, v56;
	v62 =	vld [tilespmem:s23+$0x800]  }
0x2f7: {  	v12 =	vsel vm1, v60, v12;
	v61 =	vor.u32 v59, v16;
	v25 =	vand.u32 $0xFFFFFF80, v54;
	[tilespmem:v15+s12+$0x0] =	vst.idx.add.f32.msk vm4, v18  }
0x2f8: {  	vm6 =	vne.s32 v54, $0x0;
	v26 =	vand.u32 $0x7F, v54;
	v27 =	vadd.s32 v6, v25;
	v28 =	vld [tilespmem:s31+$0x800]  }
0x2f9: {  	v29 =	vmul.f32 v14, v3;
	v30 =	vand.u32 $0xFFFFFF80, v57;
	v15 =	vor.u32 v26, v27  }
0x2fa: {  	vm1 =	vne.s32 v57, $0x0;
	v21 =	vand.u32 $0x7F, v57;
	v24 =	vadd.s32 v7, v30  }
0x2fb: {  	s1 =	sor.u32 s18, s19;
	v35 =	vmul.f32 v17, v3;
	v31 =	vand.u32 $0xFFFFFF80, v62;
	v21 =	vor.u32 v21, v24  }
0x2fc: {  	s1 =	sor.u32 $0x380, s1;
	[tilespmem:v61+s12+$0x0] =	vst.idx.add.f32.msk vm14, v12;
	vm15 =	vne.s32 v62, $0x0;
	v32 =	vand.u32 $0x7F, v62;
	v33 =	vadd.s32 v8, v31  }
0x2fd: {  	s22 =	sor.u32 s22, s21;
	v14 =	vsel vm12, v29, v14;
	v34 =	vld [tilespmem:s1+$0x0];
	v13 =	vor.u32 v32, v33;
	v36 =	vand.u32 $0xFFFFFF80, v28  }
0x2fe: {  	s1 =	sor.u32 $0x380, s22;
	[tilespmem:v15+s12+$0x0] =	vst.idx.add.f32.msk vm6, v14;
	vm12 =	vne.s32 v28, $0x0;
	v37 =	vand.u32 $0x7F, v28;
	v16 =	vadd.s32 v9, v36  }
0x2ff: {  	s25 =	sor.u32 s25, s24;
	v39 =	vmul.f32 v20, v3;
	v17 =	vsel vm7, v35, v17;
	v38 =	vld [tilespmem:s1+$0x0];
	v15 =	vor.u32 v37, v16  }
0x300: {  	v41 =	vmul.f32 v10, v3;
	v43 =	vmul.f32 v18, v3;
	[tilespmem:v21+s12+$0x0] =	vst.idx.add.f32.msk vm1, v17;
	s1 =	sor.u32 $0x380, s25  }
0x301: {  	s28 =	sor.u32 s28, s26;
	v63 =	vand.u32 $0xFFFFFF80, v11;
	v44 =	vmul.f32 v12, v3;
	v20 =	vsel vm13, v39, v20;
	v42 =	vld [tilespmem:s1+$0x0]  }
0x302: {  	v10 =	vsel vm0, v41, v10;
	v18 =	vsel vm4, v43, v18;
	v26 =	vand.u32 $0xFFFFFF80, v34;
	[tilespmem:v13+s12+$0x0] =	vst.idx.add.f32.msk vm15, v20;
	s1 =	sor.u32 $0x380, s28  }
0x303: {  	s0 =	sor.u32 s2, s0;
	vm13 =	vne.s32 v34, $0x0;
	v22 =	vand.u32 $0x7F, v34;
	v26 =	vadd.s32 v5, v26;
	v45 =	vld [tilespmem:s1+$0x0]  }
0x304: {  	s0 =	sor.u32 $0x380, s0;
	v12 =	vsel vm14, v44, v12;
	v22 =	vor.u32 v22, v26;
	v46 =	vand.u32 $0xFFFFFF80, v38;
	[tilespmem:v15+s12+$0x0] =	vst.idx.add.f32.msk vm12, v18  }
0x305: {  	vm14 =	vne.s32 v38, $0x0;
	v47 =	vand.u32 $0x7F, v38;
	v13 =	vadd.s32 v6, v46;
	v48 =	vld [tilespmem:s0+$0x0]  }
0x306: {  	v49 =	vmul.f32 v14, v3;
	v50 =	vand.u32 $0xFFFFFF80, v42;
	v13 =	vor.u32 v47, v13  }
0x307: {  	vm5 =	vne.s32 v42, $0x0;
	v25 =	vand.u32 $0x7F, v42;
	v26 =	vadd.s32 v7, v50  }
0x308: {  	v14 =	vsel vm6, v49, v14;
	v52 =	vand.u32 $0xFFFFFF80, v45;
	v51 =	vor.u32 v25, v26  }
0x309: {  	[tilespmem:v22+s12+$0x0] =	vst.idx.add.f32.msk vm13, v12;
	vm6 =	vne.s32 v45, $0x0;
	v53 =	vand.u32 $0x7F, v45;
	v54 =	vadd.s32 v8, v52  }
0x30a: {  	v56 =	vmul.f32 v17, v3;
	v55 =	vld [tilespmem:s16+$0x300];
	v22 =	vor.u32 v53, v54;
	v57 =	vand.u32 $0xFFFFFF80, v48  }
0x30b: {  	[tilespmem:v13+s12+$0x0] =	vst.idx.add.f32.msk vm14, v14;
	vm4 =	vne.s32 v48, $0x0;
	v58 =	vand.u32 $0x7F, v48;
	v59 =	vadd.s32 v9, v57  }
0x30c: {  	v61 =	vmul.f32 v20, v3;
	v17 =	vsel vm1, v56, v17;
	v60 =	vld [tilespmem:s17+$0x300];
	v13 =	vor.u32 v58, v59  }
0x30d: {  	v40 =	vand.u32 $0x7F, v11;
	v19 =	vadd.s32 v4, v63;
	v26 =	vmul.f32 v18, v3;
	[tilespmem:v51+s12+$0x0] =	vst.idx.add.f32.msk vm5, v17  }
0x30e: {  	v62 =	vor.u32 v40, v19;
	v63 =	vsel vm15, v61, v20;
	vm1 =	vne.s32 v11, $0x0;
	v15 =	vld [tilespmem:s20+$0x300]  }
0x30f: {  	v28 =	vmul.f32 v12, v3;
	v18 =	vsel vm12, v26, v18;
	v27 =	vand.u32 $0xFFFFFF80, v55;
	[tilespmem:v22+s12+$0x0] =	vst.idx.add.f32.msk vm6, v63  }
0x310: {  	vm15 =	vne.s32 v55, $0x0;
	v29 =	vand.u32 $0x7F, v55;
	v20 =	vadd.s32 v5, v27;
	v30 =	vld [tilespmem:s23+$0x300]  }
0x311: {  	v35 =	vmul.f32 v14, v3;
	v31 =	vor.u32 v29, v20;
	v32 =	vand.u32 $0xFFFFFF80, v60;
	[tilespmem:v13+s12+$0x0] =	vst.idx.add.f32.msk vm4, v18  }
0x312: {  	vm12 =	vne.s32 v60, $0x0;
	v33 =	vand.u32 $0x7F, v60;
	v20 =	vadd.s32 v6, v32;
	v34 =	vld [tilespmem:s31+$0x300]  }
0x313: {  	v12 =	vsel vm13, v28, v12;
	v36 =	vand.u32 $0xFFFFFF80, v15;
	v13 =	vor.u32 v33, v20  }
0x314: {  	vm7 =	vne.s32 v15, $0x0;
	v37 =	vand.u32 $0x7F, v15;
	v38 =	vadd.s32 v7, v36  }
0x315: {  	v42 =	vmul.f32 v17, v3;
	v39 =	vand.u32 $0xFFFFFF80, v30;
	v11 =	vor.u32 v37, v38  }
0x316: {  	[tilespmem:v31+s12+$0x0] =	vst.idx.add.f32.msk vm15, v12;
	vm13 =	vne.s32 v30, $0x0;
	v40 =	vand.u32 $0x7F, v30;
	v15 =	vadd.s32 v8, v39  }
0x317: {  	v14 =	vsel vm14, v35, v14;
	v41 =	vld [tilespmem:s16+$0x280];
	v15 =	vor.u32 v40, v15;
	v43 =	vand.u32 $0xFFFFFF80, v34  }
0x318: {  	[tilespmem:v13+s12+$0x0] =	vst.idx.add.f32.msk vm12, v14;
	vm14 =	vne.s32 v34, $0x0;
	v44 =	vand.u32 $0x7F, v34;
	v19 =	vadd.s32 v9, v43  }
0x319: {  	v46 =	vmul.f32 v63, v3;
	v17 =	vsel vm5, v42, v17;
	v45 =	vld [tilespmem:s17+$0x280];
	v13 =	vor.u32 v44, v19  }
0x31a: {  	v49 =	vmul.f32 v18, v3;
	[tilespmem:v11+s12+$0x0] =	vst.idx.add.f32.msk vm7, v17  }
0x31b: {  	v16 =	vsel vm6, v46, v63;
	v48 =	vld [tilespmem:s20+$0x280]  }
0x31c: {  	v51 =	vmul.f32 v12, v3;
	v18 =	vsel vm4, v49, v18;
	v50 =	vand.u32 $0xFFFFFF80, v41;
	[tilespmem:v15+s12+$0x0] =	vst.idx.add.f32.msk vm13, v16  }
0x31d: {  	vm10 =	vne.s32 v41, $0x0;
	v52 =	vand.u32 $0x7F, v41;
	v53 =	vadd.s32 v5, v50;
	v54 =	vld [tilespmem:s23+$0x280]  }
0x31e: {  	v12 =	vsel vm15, v51, v12;
	v15 =	vor.u32 v52, v53;
	v55 =	vand.u32 $0xFFFFFF80, v45;
	[tilespmem:v13+s12+$0x0] =	vst.idx.add.f32.msk vm14, v18  }
0x31f: {  	vm15 =	vne.s32 v45, $0x0;
	v56 =	vand.u32 $0x7F, v45;
	v20 =	vadd.s32 v6, v55;
	v57 =	vld [tilespmem:s31+$0x280]  }
0x320: {  	v58 =	vmul.f32 v14, v3;
	v59 =	vand.u32 $0xFFFFFF80, v48;
	v13 =	vor.u32 v56, v20  }
0x321: {  	[tilespmem:v62+s12+$0x0] =	vst.idx.add.f32.msk vm1, v10;
	vm8 =	vne.s32 v48, $0x0;
	v19 =	vand.u32 $0x7F, v48;
	v23 =	vadd.s32 v7, v59  }
0x322: {  	v22 =	vld [tilespmem:s15+$0x80];
	v14 =	vsel vm12, v58, v14;
	v60 =	vand.u32 $0xFFFFFF80, v54;
	v19 =	vor.u32 v19, v23  }
0x323: {  	[tilespmem:v15+s12+$0x0] =	vst.idx.add.f32.msk vm10, v12;
	vm12 =	vne.s32 v54, $0x0;
	v61 =	vand.u32 $0x7F, v54;
	v20 =	vadd.s32 v8, v60  }
0x324: {  	v63 =	vmul.f32 v17, v3;
	v62 =	vld [tilespmem:s16+$0x200];
	v15 =	vor.u32 v61, v20;
	v27 =	vand.u32 $0xFFFFFF80, v57  }
0x325: {  	[tilespmem:v13+s12+$0x0] =	vst.idx.add.f32.msk vm15, v14;
	vm2 =	vne.s32 v57, $0x0;
	v28 =	vand.u32 $0x7F, v57;
	v20 =	vadd.s32 v9, v27  }
0x326: {  	v30 =	vmul.f32 v16, v3;
	v17 =	vsel vm7, v63, v17;
	v29 =	vld [tilespmem:s17+$0x200];
	v13 =	vor.u32 v28, v20  }
0x327: {  	v47 =	vand.u32 $0xFFFFFF80, v22;
	v34 =	vmul.f32 v18, v3;
	[tilespmem:v19+s12+$0x0] =	vst.idx.add.f32.msk vm8, v17  }
0x328: {  	v32 =	vmul.f32 v10, v3;
	v36 =	vmul.f32 v12, v3;
	v16 =	vsel vm13, v30, v16;
	v33 =	vld [tilespmem:s20+$0x200]  }
0x329: {  	v11 =	vadd.s32 v4, v47;
	v18 =	vsel vm14, v34, v18;
	v35 =	vand.u32 $0xFFFFFF80, v62;
	[tilespmem:v15+s12+$0x0] =	vst.idx.add.f32.msk vm12, v16  }
0x32a: {  	vm13 =	vne.s32 v62, $0x0;
	v23 =	vand.u32 $0x7F, v62;
	v26 =	vadd.s32 v5, v35;
	v37 =	vld [tilespmem:s23+$0x200]  }
0x32b: {  	v41 =	vmul.f32 v14, v3;
	v23 =	vor.u32 v23, v26;
	v38 =	vand.u32 $0xFFFFFF80, v29;
	[tilespmem:v13+s12+$0x0] =	vst.idx.add.f32.msk vm2, v18  }
0x32c: {  	vm14 =	vne.s32 v29, $0x0;
	v39 =	vand.u32 $0x7F, v29;
	v15 =	vadd.s32 v6, v38;
	v40 =	vld [tilespmem:s31+$0x200]  }
0x32d: {  	v12 =	vsel vm10, v36, v12;
	v42 =	vand.u32 $0xFFFFFF80, v33;
	v13 =	vor.u32 v39, v15  }
0x32e: {  	vm4 =	vne.s32 v33, $0x0;
	v25 =	vand.u32 $0x7F, v33;
	v26 =	vadd.s32 v7, v42  }
0x32f: {  	v14 =	vsel vm15, v41, v14;
	v44 =	vand.u32 $0xFFFFFF80, v37;
	v43 =	vor.u32 v25, v26  }
0x330: {  	[tilespmem:v23+s12+$0x0] =	vst.idx.add.f32.msk vm13, v12;
	vm15 =	vne.s32 v37, $0x0;
	v45 =	vand.u32 $0x7F, v37;
	v46 =	vadd.s32 v8, v44  }
0x331: {  	v48 =	vmul.f32 v17, v3;
	v47 =	vld [tilespmem:s16+$0x180];
	v23 =	vor.u32 v45, v46;
	v49 =	vand.u32 $0xFFFFFF80, v40  }
0x332: {  	[tilespmem:v13+s12+$0x0] =	vst.idx.add.f32.msk vm14, v14;
	vm3 =	vne.s32 v40, $0x0;
	v50 =	vand.u32 $0x7F, v40;
	v51 =	vadd.s32 v9, v49  }
0x333: {  	v53 =	vmul.f32 v16, v3;
	v17 =	vsel vm8, v48, v17;
	v52 =	vld [tilespmem:s17+$0x180];
	v13 =	vor.u32 v50, v51  }
0x334: {  	v31 =	vand.u32 $0x7F, v22;
	vm0 =	vne.s32 v22, $0x0;
	v54 =	vmul.f32 v18, v3;
	[tilespmem:v43+s12+$0x0] =	vst.idx.add.f32.msk vm4, v17  }
0x335: {  	v10 =	vsel vm1, v32, v10;
	v11 =	vor.u32 v31, v11;
	v16 =	vsel vm12, v53, v16;
	v15 =	vld [tilespmem:s20+$0x180]  }
0x336: {  	v56 =	vmul.f32 v12, v3;
	v18 =	vsel vm2, v54, v18;
	v55 =	vand.u32 $0xFFFFFF80, v47;
	[tilespmem:v23+s12+$0x0] =	vst.idx.add.f32.msk vm15, v16  }
0x337: {  	vm12 =	vne.s32 v47, $0x0;
	v57 =	vand.u32 $0x7F, v47;
	v20 =	vadd.s32 v5, v55;
	v23 =	vld [tilespmem:s23+$0x180]  }
0x338: {  	v12 =	vsel vm13, v56, v12;
	v58 =	vor.u32 v57, v20;
	v59 =	vand.u32 $0xFFFFFF80, v52;
	[tilespmem:v13+s12+$0x0] =	vst.idx.add.f32.msk vm3, v18  }
0x339: {  	vm13 =	vne.s32 v52, $0x0;
	v60 =	vand.u32 $0x7F, v52;
	v20 =	vadd.s32 v6, v59;
	v61 =	vld [tilespmem:s31+$0x180]  }
0x33a: {  	v62 =	vmul.f32 v14, v3;
	v63 =	vand.u32 $0xFFFFFF80, v15;
	v13 =	vor.u32 v60, v20  }
0x33b: {  	vm7 =	vne.s32 v15, $0x0;
	v24 =	vand.u32 $0x7F, v15;
	v25 =	vadd.s32 v7, v63  }
0x33c: {  	[tilespmem:v11+s12+$0x0] =	vst.idx.add.f32.msk vm0, v10;
	v14 =	vsel vm14, v62, v14;
	v26 =	vand.u32 $0xFFFFFF80, v23;
	v11 =	vor.u32 v24, v25  }
0x33d: {  	[tilespmem:v58+s12+$0x0] =	vst.idx.add.f32.msk vm12, v12;
	vm14 =	vne.s32 v23, $0x0;
	v27 =	vand.u32 $0x7F, v23;
	v15 =	vadd.s32 v8, v26  }
0x33e: {  	v29 =	vmul.f32 v17, v3;
	v28 =	vld [tilespmem:s16+$0x100];
	v15 =	vor.u32 v27, v15;
	v30 =	vand.u32 $0xFFFFFF80, v61  }
0x33f: {  	[tilespmem:v13+s12+$0x0] =	vst.idx.add.f32.msk vm13, v14;
	vm1 =	vne.s32 v61, $0x0;
	v31 =	vand.u32 $0x7F, v61;
	v19 =	vadd.s32 v9, v30  }
0x340: {  	v33 =	vmul.f32 v16, v3;
	v17 =	vsel vm4, v29, v17;
	v32 =	vld [tilespmem:s17+$0x100];
	v13 =	vor.u32 v31, v19  }
0x341: {  	v36 =	vmul.f32 v18, v3;
	[tilespmem:v11+s12+$0x0] =	vst.idx.add.f32.msk vm7, v17  }
0x342: {  	v16 =	vsel vm15, v33, v16;
	v35 =	vld [tilespmem:s20+$0x100]  }
0x343: {  	v38 =	vmul.f32 v12, v3;
	v18 =	vsel vm3, v36, v18;
	v37 =	vand.u32 $0xFFFFFF80, v28;
	[tilespmem:v15+s12+$0x0] =	vst.idx.add.f32.msk vm14, v16  }
0x344: {  	vm15 =	vne.s32 v28, $0x0;
	v39 =	vand.u32 $0x7F, v28;
	v40 =	vadd.s32 v5, v37;
	v41 =	vld [tilespmem:s23+$0x100]  }
0x345: {  	v45 =	vmul.f32 v14, v3;
	v15 =	vor.u32 v39, v40;
	v42 =	vand.u32 $0xFFFFFF80, v32;
	[tilespmem:v13+s12+$0x0] =	vst.idx.add.f32.msk vm1, v18  }
0x346: {  	vm3 =	vne.s32 v32, $0x0;
	v43 =	vand.u32 $0x7F, v32;
	v20 =	vadd.s32 v6, v42;
	v44 =	vld [tilespmem:s31+$0x100]  }
0x347: {  	v50 =	vmul.f32 v17, v3;
	v46 =	vand.u32 $0xFFFFFF80, v35;
	v13 =	vor.u32 v43, v20  }
0x348: {  	vm6 =	vne.s32 v35, $0x0;
	v19 =	vand.u32 $0x7F, v35;
	v23 =	vadd.s32 v7, v46  }
0x349: {  	v22 =	vld [tilespmem:s15+$0x0];
	v12 =	vsel vm12, v38, v12;
	v47 =	vand.u32 $0xFFFFFF80, v41;
	v19 =	vor.u32 v19, v23  }
0x34a: {  	[tilespmem:v15+s12+$0x0] =	vst.idx.add.f32.msk vm15, v12;
	vm12 =	vne.s32 v41, $0x0;
	v48 =	vand.u32 $0x7F, v41;
	v20 =	vadd.s32 v8, v47  }
0x34b: {  	v14 =	vsel vm13, v45, v14;
	v49 =	vld [tilespmem:s16+$0x80];
	v15 =	vor.u32 v48, v20;
	v51 =	vand.u32 $0xFFFFFF80, v44  }
0x34c: {  	[tilespmem:v13+s12+$0x0] =	vst.idx.add.f32.msk vm3, v14;
	vm13 =	vne.s32 v44, $0x0;
	v52 =	vand.u32 $0x7F, v44;
	v20 =	vadd.s32 v9, v51  }
0x34d: {  	v54 =	vmul.f32 v16, v3;
	v17 =	vsel vm7, v50, v17;
	v53 =	vld [tilespmem:s17+$0x80];
	v13 =	vor.u32 v52, v20  }
0x34e: {  	v34 =	vand.u32 $0xFFFFFF80, v22;
	v58 =	vmul.f32 v18, v3;
	[tilespmem:v19+s12+$0x0] =	vst.idx.add.f32.msk vm6, v17  }
0x34f: {  	v56 =	vadd.s32 v4, v34;
	v57 =	vmul.f32 v10, v3;
	v16 =	vsel vm14, v54, v16;
	v19 =	vld [tilespmem:s20+$0x80]  }
0x350: {  	v60 =	vmul.f32 v12, v3;
	v18 =	vsel vm1, v58, v18;
	v59 =	vand.u32 $0xFFFFFF80, v49;
	[tilespmem:v15+s12+$0x0] =	vst.idx.add.f32.msk vm12, v16  }
0x351: {  	vm14 =	vne.s32 v49, $0x0;
	v61 =	vand.u32 $0x7F, v49;
	v62 =	vadd.s32 v5, v59;
	v63 =	vld [tilespmem:s23+$0x80]  }
0x352: {  	v12 =	vsel vm15, v60, v12;
	v15 =	vor.u32 v61, v62;
	v27 =	vand.u32 $0xFFFFFF80, v53;
	[tilespmem:v13+s12+$0x0] =	vst.idx.add.f32.msk vm13, v18  }
0x353: {  	vm15 =	vne.s32 v53, $0x0;
	v28 =	vand.u32 $0x7F, v53;
	v29 =	vadd.s32 v6, v27;
	v30 =	vld [tilespmem:s31+$0x80]  }
0x354: {  	v36 =	vmul.f32 v17, v3;
	v32 =	vand.u32 $0xFFFFFF80, v19;
	v13 =	vor.u32 v28, v29  }
0x355: {  	vm2 =	vne.s32 v19, $0x0;
	v19 =	vand.u32 $0x7F, v19;
	v24 =	vadd.s32 v7, v32  }
0x356: {  	v31 =	vmul.f32 v14, v3;
	v33 =	vand.u32 $0xFFFFFF80, v63;
	v19 =	vor.u32 v19, v24  }
0x357: {  	[tilespmem:v15+s12+$0x0] =	vst.idx.add.f32.msk vm14, v12;
	vm1 =	vne.s32 v63, $0x0;
	v34 =	vand.u32 $0x7F, v63;
	v21 =	vadd.s32 v8, v33  }
0x358: {  	v14 =	vsel vm3, v31, v14;
	v35 =	vld [tilespmem:s16+$0x0];
	v15 =	vor.u32 v34, v21;
	v37 =	vand.u32 $0xFFFFFF80, v30  }
0x359: {  	[tilespmem:v13+s12+$0x0] =	vst.idx.add.f32.msk vm15, v14;
	vm3 =	vne.s32 v30, $0x0;
	v38 =	vand.u32 $0x7F, v30;
	v21 =	vadd.s32 v9, v37  }
0x35a: {  	v40 =	vmul.f32 v16, v3;
	v17 =	vsel vm6, v36, v17;
	v39 =	vld [tilespmem:s17+$0x0];
	v13 =	vor.u32 v38, v21  }
0x35b: {  	vm10 =	vne.s32 v22, $0x0;
	v55 =	vand.u32 $0x7F, v22;
	v42 =	vmul.f32 v18, v3;
	[tilespmem:v19+s12+$0x0] =	vst.idx.add.f32.msk vm2, v17  }
0x35c: {  	v4 =	vor.u32 v55, v56;
	v10 =	vsel vm0, v57, v10;
	v16 =	vsel vm12, v40, v16;
	v41 =	vld [tilespmem:s20+$0x0]  }
0x35d: {  	v44 =	vmul.f32 v12, v3;
	v18 =	vsel vm13, v42, v18;
	v43 =	vand.u32 $0xFFFFFF80, v35;
	[tilespmem:v15+s12+$0x0] =	vst.idx.add.f32.msk vm1, v16  }
0x35e: {  	vm11 =	vne.s32 v35, $0x0;
	v45 =	vand.u32 $0x7F, v35;
	v46 =	vadd.s32 v5, v43;
	v47 =	vld [tilespmem:s23+$0x0]  }
0x35f: {  	v59 =	vmul.f32 v17, v3;
	v5 =	vor.u32 v45, v46;
	v48 =	vand.u32 $0xFFFFFF80, v39;
	[tilespmem:v13+s12+$0x0] =	vst.idx.add.f32.msk vm3, v18  }
0x360: {  	vm12 =	vne.s32 v39, $0x0;
	v49 =	vand.u32 $0x7F, v39;
	v50 =	vadd.s32 v6, v48;
	v51 =	vld [tilespmem:s31+$0x0]  }
0x361: {  	v52 =	vmul.f32 v14, v3;
	v53 =	vand.u32 $0xFFFFFF80, v41;
	v6 =	vor.u32 v49, v50  }
0x362: {  	s29 =	sadd.s32 $0x800, s29;
	[tilespmem:v4+s12+$0x0] =	vst.idx.add.f32.msk vm10, v10;
	vm13 =	vne.s32 v41, $0x0;
	v54 =	vand.u32 $0x7F, v41;
	v55 =	vadd.s32 v7, v53;
	s31 =	sadd.s32 $0x100, s30  }
0x363: {  	v12 =	vsel vm14, v44, v12;
	v57 =	vand.u32 $0xFFFFFF80, v47;
	v4 =	vor.u32 v54, v55;
	[hbm4b:s31+s3] =	stream.linear.scatter [tilespmem:s29], [sflag:$0x2], $0x800, $0x38;
	[tilespmem:$0xA080] =	vst v63  }
0x364: {  	s0 =	sadd.s32 $0x800, s29;
	[tilespmem:v5+s12+$0x0] =	vst.idx.add.f32.msk vm11, v12;
	vm14 =	vne.s32 v47, $0x0;
	v58 =	vand.u32 $0x7F, v47;
	v7 =	vadd.s32 v8, v57;
	s1 =	sadd.s32 $0x100, s31  }
0x365: {  	v56 =	vsel vm15, v52, v14;
	v5 =	vor.u32 v58, v7;
	[hbm4b:s1+s3] =	stream.linear.scatter [tilespmem:s0], [sflag:$0x2], $0x800, $0x38;
	v60 =	vand.u32 $0xFFFFFF80, v51;
	[tilespmem:$0xA080] =	vst v63  }
0x366: {  	s0 =	sadd.s32 $0x800, s0;
	s1 =	sadd.s32 $0x100, s1;
	[tilespmem:v6+s12+$0x0] =	vst.idx.add.f32.msk vm12, v56;
	vm15 =	vne.s32 v51, $0x0;
	v61 =	vand.u32 $0x7F, v51;
	v7 =	vadd.s32 v9, v60  }
0x367: {  	v62 =	vmul.f32 v16, v3;
	v8 =	vsel vm2, v59, v17;
	[hbm4b:s1+s3] =	stream.linear.scatter [tilespmem:s0], [sflag:$0x2], $0x800, $0x38;
	v6 =	vor.u32 v61, v7;
	[tilespmem:$0xA080] =	vst v63  }
0x368: {  	s0 =	sadd.s32 $0x800, s0;
	s1 =	sadd.s32 $0x100, s1;
	[tilespmem:v4+s12+$0x0] =	vst.idx.add.f32.msk vm13, v8  }
0x369: {  	v63 =	vsel vm1, v62, v16;
	v3 =	vmul.f32 v18, v3;
	[hbm4b:s1+s3] =	stream.linear.scatter [tilespmem:s0], [sflag:$0x2], $0x800, $0x38;
	[tilespmem:$0xA080] =	vst v63  }
0x36a: {  	s0 =	sadd.s32 $0x800, s0;
	s1 =	sadd.s32 $0x100, s1;
	[tilespmem:v5+s12+$0x0] =	vst.idx.add.f32.msk vm14, v63  }
0x36b: {  	v3 =	vsel vm3, v3, v18;
	[hbm4b:s1+s3] =	stream.linear.scatter [tilespmem:s0], [sflag:$0x2], $0x800, $0x38;
	[tilespmem:$0xA080] =	vst v63  }
0x36c: {  	s0 =	sadd.s32 $0x800, s0;
	s1 =	sadd.s32 $0x100, s1;
	[tilespmem:v6+s12+$0x0] =	vst.idx.add.f32.msk vm15, v3  }
0x36d: {  	[hbm4b:s1+s3] =	stream.linear.scatter [tilespmem:s0], [sflag:$0x2], $0x800, $0x38;
	[tilespmem:$0xA080] =	vst v63  }
0x36e: {  	_ =	swait.ge [sflag:s13], $0x800  }
0x36f: {  	[sflag:s13] =	ssyncset.done $0x0  }
0x370: {  	[sflag:s13] =	ssyncadd.s32 $0xFFFFF800  }
0x371: {  	_ =	swait.ge [sflag:s13], $0x800  }
0x372: {  	[sflag:s13] =	ssyncset.done $0x0  }
0x373: {  	[sflag:s13] =	ssyncadd.s32 $0xFFFFF800  }
0x374: {  	_ =	swait.ge [sflag:s13], $0x800  }
0x375: {  	[sflag:s13] =	ssyncset.done $0x0  }
0x376: {  	[sflag:s13] =	ssyncadd.s32 $0xFFFFF800  }
0x377: {  	_ =	swait.ge [sflag:s13], $0x800  }
0x378: {  	[sflag:s13] =	ssyncset.done $0x0  }
0x379: {  	[sflag:s13] =	ssyncadd.s32 $0xFFFFF800  }
0x37a: {  	_ =	swait.ge [sflag:s13], $0x800  }
0x37b: {  	[sflag:s13] =	ssyncset.done $0x0  }
0x37c: {  	[sflag:s13] =	ssyncadd.s32 $0xFFFFF800  }
0x37d: {  	_ =	swait.ge [sflag:s13], $0x800  }
0x37e: {  	[sflag:s13] =	ssyncset.done $0x0  }
0x37f: {  	[sflag:s13] =	ssyncadd.s32 $0xFFFFF800  }
0x380: {  	_ =	swait.ge [sflag:s13], $0x800  }
0x381: {  	[sflag:s13] =	ssyncset.done $0x0  }
0x382: {  	[sflag:s13] =	ssyncadd.s32 $0xFFFFF800  }
0x383: {  	_ =	swait.ge [sflag:s13], $0x800  }
0x384: {  	[sflag:s13] =	ssyncset.done $0x0  }
0x385: {  	[sflag:s13] =	ssyncadd.s32 $0xFFFFF800  }
0x386: {  	_ =	swait.ge [sflag:s13], $0x800  }
0x387: {  	[sflag:s13] =	ssyncset.done $0x0  }
0x388: {  	[sflag:s13] =	ssyncadd.s32 $0xFFFFF800  }
0x389: {  	_ =	swait.ge [sflag:s13], $0x800  }
0x38a: {  	[sflag:s13] =	ssyncset.done $0x0  }
0x38b: {  	[sflag:s13] =	ssyncadd.s32 $0xFFFFF800  }
0x38c: {  	_ =	swait.ge [sflag:s13], $0x800  }
0x38d: {  	[sflag:s13] =	ssyncset.done $0x0  }
0x38e: {  	[sflag:s13] =	ssyncadd.s32 $0xFFFFF800  }
0x38f: {  	_ =	swait.ge [sflag:s13], $0x800  }
0x390: {  	[sflag:s13] =	ssyncset.done $0x0  }
0x391: {  	[sflag:s13] =	ssyncadd.s32 $0xFFFFF800  }
0x392: {  	_ =	swait.ge [sflag:s13], $0x800  }
0x393: {  	[sflag:s13] =	ssyncset.done $0x0  }
0x394: {  	[sflag:s13] =	ssyncadd.s32 $0xFFFFF800  }
0x395: {  	_ =	swait.ge [sflag:s13], $0x800  }
0x396: {  	[sflag:s13] =	ssyncset.done $0x0  }
0x397: {  	s14 =	sadd.s32 $0x1, s14;
	[sflag:s13] =	ssyncadd.s32 $0xFFFFF800  }
0x398: {  	p0 =	sne.s32 s14, s5;
	_ =	swait.ge [sflag:s13], $0x800  }
.Ltmp2:
0x399: {  	[sflag:s13] =	ssyncset.done $0x0;
	(pc) =	sbr.rel @p0 .LBB2_1-.Ltmp2, $4  }
0x39a: {  	[sflag:s13] =	ssyncadd.s32 $0xFFFFF800  }
0x39b: {  	_ =	swait.ge [sflag:s13], $0x800  }
0x39c: {  	[sflag:s13] =	ssyncset.done $0x0  }
0x39d: {  	[sflag:s13] =	ssyncadd.s32 $0xFFFFF800  }
0x39e: {  	_ =	sfence.sel $0x180000  }
0x39f: {  	[bflag:$0x0] =	sbarrier.arrive $0xFFFF  }
0x3a0: {  	_ =	strace $0x90000047  }
0x3a1: {  	s0 =	stileid.u32;
	[bflag:$0x2] =	sbarrier.arrive $0xFFFF  }
0x3a2: {  	p0 =	sne.s32 s0, $0x0;
	s0 =	rddreg [dreg:$0x3]  }
0x3a3: {  	s0 =	sadd.s32 @!p0 $0x100000, s0  }
0x3a4: {  	[sflag:s0] =	ssyncadd.tile.s32 @!p0 $0x1;
	_ =	shalt  }
.Lfunc_end2:
_tile_overlayer_lowered:
.L_overlay_start_2:
0x3a5: {  	(tag) =	ssettag $0x2  }
0x3a6: {  	s0 =	rddreg [dreg:$0x0];
	s2 =	stileid.u32  }
0x3a7: {  	s1 =	rddreg [dreg:$0x1];
	p0 =	sne.s32 s2, $0x0  }
0x3a8: {  	s3 =	rddreg [dreg:$0x2];
	[bflag:$0x3] =	sbarrier.arrive $0xFFFF;
	s2 =	simm.s32 @!p0 $0x1C03  }
0x3a9: {  	[timem:s3], [sflag:s2] =	dma.local @!p0 [hbm:s0], s1  }
0x3aa: {  	s0 =	simm.s32 @!p0 $0x3  }
0x3ab: {  	_ =	swait.ge @!p0 [sflag:s0], s1  }
0x3ac: {  	s1 =	ssub.s32 @!p0 $0x0, s1;
	[sflag:s0] =	ssyncset.done @!p0 $0x0  }
0x3ad: {  	[sflag:s0] =	ssyncadd.s32 @!p0 s1  }
0x3ae: {  	[bflag:$0x3] =	sbarrier.arrive $0xFFFF  }
0x3af: {  	_ =	shalt  }

</sc_bundles>
